<compile_context>
chip_gen: v7x
topology: tpu7x:2x2x1
jax: 0.10.2.dev20260603
libtpu: 0.0.44.dev20260713+nightly
codegen_flags: <defaults>
</compile_context>

<pallas_src>
import functools

import jax
import jax.numpy as jnp
from jax.experimental import pallas as pl
from jax.experimental.pallas import tpu as pltpu
from jax.experimental.pallas import tpu_sc as plsc

E = 64
D = 768
FF = 1024
N = 2048
T = 128
TM = N // T
STEPS = TM + E - 1
GT = 128
GM = N // GT
EPAD = 128
_BIG = 1 << 30


def _gating_body(x_ref, gwt_ref, eid_ref, grank_ref, cnt_ref):
    xb = x_ref[...]
    s = jnp.dot(xb, gwt_ref[...], preferred_element_type=jnp.float32)
    col = jax.lax.broadcasted_iota(jnp.int32, s.shape, 1)
    s = jnp.where(col < E, s, -jnp.inf)
    m = jnp.max(s, axis=1, keepdims=True)
    idx = jnp.min(jnp.where(s == m, col, E), axis=1)
    onehot = (col == idx[:, None]).astype(jnp.int32)
    csum = onehot
    k = 1
    while k < N:
        csum = csum + jnp.concatenate(
            [jnp.zeros((k, EPAD), jnp.int32), csum[:N - k]], axis=0)
        k *= 2
    grank = jnp.sum(onehot * csum, axis=1) - 1
    eid_ref[...] = idx.reshape(GM, 1, GT)
    grank_ref[...] = grank.reshape(GM, 1, GT)
    cnt_ref[...] = csum[N - 1:N, :]


F2 = 1
FS = FF // F2


def _ffn_body(st_ref, se_ref, sv_ref, off_ref,
              x_ref, w1_ref, w2_ref, gwt_ref, out_ref, w_ref):
    s = pl.program_id(0)
    f = pl.program_id(1)
    t = st_ref[s]
    e = se_ref[s]
    valid = sv_ref[s]
    prev_t = st_ref[jnp.maximum(s - 1, 0)]
    first = (f == 0) & jnp.logical_or(s == 0, prev_t != t)

    @pl.when(first)
    def _():
        out_ref[...] = jnp.zeros_like(out_ref)

    xb = x_ref[...]

    @pl.when(f == 0)
    def _():
        sc = jnp.dot(xb, gwt_ref[...], preferred_element_type=jnp.float32)
        col = jax.lax.broadcasted_iota(jnp.int32, sc.shape, 1)
        sc = jnp.where(col < E, sc, -jnp.inf)
        m = jnp.max(sc, axis=1, keepdims=True)
        w_ref[...] = 1.0 / jnp.sum(jnp.exp(sc - m), axis=1, keepdims=True)

    h = jnp.dot(xb, w1_ref[0], preferred_element_type=jnp.float32)
    h = h * jax.nn.sigmoid(h)
    y = jnp.dot(h, w2_ref[0], preferred_element_type=jnp.float32)

    rows = t * T + jax.lax.broadcasted_iota(jnp.int32, (T, 1), 0)
    mask = (rows >= off_ref[e]) & (rows < off_ref[e + 1]) & (valid > 0)
    out_ref[...] += jnp.where(mask, y * w_ref[...], 0.0)


def _meta_body(off_ref, eid_ref, grank_ref, inv_ref, smeta_ref):
    eid = eid_ref[...].reshape(GM, GT)
    grank = grank_ref[...].reshape(GM, GT)

    def body(e, carry):
        off_of, lo_vec, hi_vec = carry
        lo_e = off_ref[e]
        hi_e = off_ref[e + 1]
        lane = jax.lax.broadcasted_iota(jnp.int32, (1, EPAD), 1)
        off_of = jnp.where(eid == e, lo_e, off_of)
        lo_vec = jnp.where(lane == e, lo_e, lo_vec)
        hi_vec = jnp.where(lane == e, hi_e, hi_vec)
        return off_of, lo_vec, hi_vec

    zero_gm = jnp.zeros((GM, GT), jnp.int32)
    zero_ln = jnp.zeros((1, EPAD), jnp.int32)
    off_of, lo_vec, hi_vec = jax.lax.fori_loop(
        0, E, body, (zero_gm, zero_ln, zero_ln))
    inv_ref[...] = off_of + grank

    lane = jax.lax.broadcasted_iota(jnp.int32, (TM, EPAD), 1)
    trow = jax.lax.broadcasted_iota(jnp.int32, (TM, EPAD), 0)
    valid = ((lo_vec < (trow + 1) * T) & (hi_vec > trow * T)
             & (hi_vec > lo_vec) & (lane < E))
    vf = valid.astype(jnp.float32)

    li = jax.lax.broadcasted_iota(jnp.int32, (EPAD, EPAD), 0)
    lj = jax.lax.broadcasted_iota(jnp.int32, (EPAD, EPAD), 1)
    ltl = (li <= lj).astype(jnp.float32)
    rowpfx = jnp.dot(vf, ltl, preferred_element_type=jnp.float32)
    tot = rowpfx[:, EPAD - 1:EPAD]
    ri = jax.lax.broadcasted_iota(jnp.int32, (TM, TM), 0)
    rj = jax.lax.broadcasted_iota(jnp.int32, (TM, TM), 1)
    ltr = (rj < ri).astype(jnp.float32)
    rowoff = jnp.dot(ltr, tot, preferred_element_type=jnp.float32)
    cum = rowoff + rowpfx
    pos = jnp.where(valid, cum - 1.0, 9999.0)

    scol = jax.lax.broadcasted_iota(
        jnp.int32, (EPAD, 1), 0).astype(jnp.float32)
    lane_f = jax.lax.broadcasted_iota(
        jnp.int32, (1, EPAD), 1).astype(jnp.float32)
    st_f = jnp.zeros((EPAD, 1), jnp.float32)
    se_f = jnp.zeros((EPAD, 1), jnp.float32)
    for t in range(TM):
        p_t = (pos[t:t + 1, :] == scol).astype(jnp.float32)
        hit = jnp.sum(p_t, axis=1, keepdims=True)
        st_f = st_f + hit * jnp.float32(t)
        se_f = se_f + jnp.sum(p_t * lane_f, axis=1, keepdims=True)

    nv = jnp.sum(vf)
    svec = scol
    last_t = jnp.sum(jnp.where(svec == nv - 1.0, st_f, 0.0))
    last_e = jnp.sum(jnp.where(svec == nv - 1.0, se_f, 0.0))
    st = jnp.where(svec < nv, st_f, last_t).astype(jnp.int32)
    se = jnp.where(svec < nv, se_f, last_e).astype(jnp.int32)
    sv = (svec < nv).astype(jnp.int32)
    pad = jnp.zeros((EPAD, 5), jnp.int32)
    smeta_ref[...] = jnp.concatenate([st, se, sv, pad], axis=1)


def _sc_row_gather(table, idx):
    info = plsc.get_sparse_core_info()
    nw = info.num_cores * info.num_subcores
    bpw = N // nw
    mesh = plsc.VectorSubcoreMesh(core_axis_name="c", subcore_axis_name="s")

    @functools.partial(
        pl.kernel,
        mesh=mesh,
        out_type=jax.ShapeDtypeStruct((N, D), jnp.float32),
        scratch_types=[
            pltpu.VMEM((bpw,), jnp.int32),
            pltpu.VMEM((bpw, D), jnp.float32),
            pltpu.SemaphoreType.DMA,
        ],
    )
    def gather_k(table_hbm, idx_hbm, out_hbm, idx_v, rows_v, sem):
        wid = jax.lax.axis_index("s") * info.num_cores + jax.lax.axis_index("c")
        base = wid * bpw
        pltpu.sync_copy(idx_hbm.at[pl.ds(base, bpw)], idx_v)
        pltpu.async_copy(table_hbm.at[idx_v], rows_v, sem).wait()
        pltpu.sync_copy(rows_v, out_hbm.at[pl.ds(base, bpw)])

    return gather_k(table, idx)


def _sc_row_scatter(table, idx):
    info = plsc.get_sparse_core_info()
    nw = info.num_cores * info.num_subcores
    bpw = N // nw
    mesh = plsc.VectorSubcoreMesh(core_axis_name="c", subcore_axis_name="s")

    @functools.partial(
        pl.kernel,
        mesh=mesh,
        out_type=jax.ShapeDtypeStruct((N, D), jnp.float32),
        scratch_types=[
            pltpu.VMEM((bpw,), jnp.int32),
            pltpu.VMEM((bpw, D), jnp.float32),
            pltpu.SemaphoreType.DMA,
        ],
    )
    def scatter_k(table_hbm, idx_hbm, out_hbm, idx_v, rows_v, sem):
        wid = jax.lax.axis_index("s") * info.num_cores + jax.lax.axis_index("c")
        base = wid * bpw
        pltpu.sync_copy(idx_hbm.at[pl.ds(base, bpw)], idx_v)
        pltpu.sync_copy(table_hbm.at[pl.ds(base, bpw)], rows_v)
        pltpu.async_copy(rows_v, out_hbm.at[idx_v], sem).wait()

    return scatter_k(table, idx)


def kernel(x, gate_w, w1, w2):
    orig_shape = x.shape
    xf = x.reshape(-1, x.shape[-1]).astype(jnp.float32)
    gwt = jnp.zeros((D, EPAD), jnp.float32).at[:, :E].set(gate_w.T)

    eid3, grank3, cnt = pl.pallas_call(
        _gating_body,
        out_shape=[
            jax.ShapeDtypeStruct((GM, 1, GT), jnp.int32),
            jax.ShapeDtypeStruct((GM, 1, GT), jnp.int32),
            jax.ShapeDtypeStruct((1, EPAD), jnp.int32),
        ],
    )(xf, gwt)
    counts = cnt[0, :E]
    offsets = jnp.concatenate(
        [jnp.zeros((1,), jnp.int32), jnp.cumsum(counts).astype(jnp.int32)]
    )

    inv2, smeta = pl.pallas_call(
        _meta_body,
        grid_spec=pltpu.PrefetchScalarGridSpec(
            num_scalar_prefetch=1,
            grid=(1,),
            in_specs=[
                pl.BlockSpec((GM, 1, GT), lambda i, off: (0, 0, 0)),
                pl.BlockSpec((GM, 1, GT), lambda i, off: (0, 0, 0)),
            ],
            out_specs=[
                pl.BlockSpec((GM, GT), lambda i, off: (0, 0)),
                pl.BlockSpec((EPAD, 8), lambda i, off: (0, 0)),
            ],
        ),
        out_shape=[
            jax.ShapeDtypeStruct((GM, GT), jnp.int32),
            jax.ShapeDtypeStruct((EPAD, 8), jnp.int32),
        ],
    )(offsets, eid3, grank3)
    inv_idx = inv2.reshape(N)
    step_t = smeta[:STEPS, 0]
    step_e = smeta[:STEPS, 1]
    step_v = smeta[:STEPS, 2]

    x_sorted = _sc_row_scatter(xf, inv_idx)

    grid_spec = pltpu.PrefetchScalarGridSpec(
        num_scalar_prefetch=4,
        grid=(STEPS, F2),
        in_specs=[
            pl.BlockSpec((T, D), lambda s, f, st, se, sv, off: (st[s], 0)),
            pl.BlockSpec((1, D, FS),
                         lambda s, f, st, se, sv, off: (se[s], 0, f)),
            pl.BlockSpec((1, FS, D),
                         lambda s, f, st, se, sv, off: (se[s], f, 0)),
            pl.BlockSpec((D, EPAD), lambda s, f, st, se, sv, off: (0, 0)),
        ],
        out_specs=pl.BlockSpec((T, D), lambda s, f, st, se, sv, off: (st[s], 0)),
        scratch_shapes=[pltpu.VMEM((T, 1), jnp.float32)],
    )
    out_sorted = pl.pallas_call(
        _ffn_body,
        grid_spec=grid_spec,
        out_shape=jax.ShapeDtypeStruct((N, D), jnp.float32),
        compiler_params=pltpu.CompilerParams(
            dimension_semantics=("arbitrary", "arbitrary"),
        ),
    )(step_t, step_e, step_v, offsets, x_sorted, w1, w2, gwt)

    y = _sc_row_gather(out_sorted, inv_idx)
    return y.reshape(orig_shape)

# --- scband reference (transcript-rebuilt; emitter-appended) ---
"""Pipeline reference for scband-mo-e-17858474017345 (READ-ONLY COPY).

The authoritative reference and input builder live on the scoring server;
editing this copy changes nothing except your own understanding.
"""

import jax, jax.numpy as jnp
import numpy as np

E = 64
K = 1
D = 768
FF = 1024
B, S = 1, 2048

def setup_inputs(seed: int = 0) -> dict:
    key = jax.random.key(seed)
    k1, k2, k3, k4 = jax.random.split(key, 4)
    x = jax.random.normal(k1, (B, S, D), dtype=jnp.float32)
    gate_w = jax.random.normal(k2, (E, D), dtype=jnp.float32) * 0.02
    w1 = jax.random.normal(k3, (E, D, FF), dtype=jnp.float32) * 0.02
    w2 = jax.random.normal(k4, (E, FF, D), dtype=jnp.float32) * 0.02
    return {"x": x, "gate_w": gate_w, "w1": w1, "w2": w2}

def reference(x, gate_w, w1, w2):
    orig_shape = x.shape
    xf = x.reshape(-1, x.shape[-1])
    scores = xf @ gate_w.T
    # moe_softmax_after = False: softmax BEFORE top-k
    probs = jax.nn.softmax(scores, axis=-1)
    expert_weights, expert_indices = jax.lax.top_k(probs, K)
    flat_idx = expert_indices.reshape(-1)
    x_rep = jnp.repeat(xf, K, axis=0)

    def body(i, y):
        h = jax.nn.silu(x_rep @ w1[i]) @ w2[i]
        mask = (flat_idx == i)[:, None]
        return jnp.where(mask, h, y)

    y = jax.lax.fori_loop(0, E, body, jnp.zeros_like(x_rep))
    y = (y.reshape(expert_weights.shape[0], K, -1) * expert_weights[..., None]).sum(axis=1)
    return y.reshape(orig_shape)

if __name__ == "__main__":
    import jax
    _d = setup_inputs()
    print(jax.jit(kernel)(*tuple(_d.values())))

</pallas_src>

<mosaic_0001>
#map = affine_map<(d0, d1) -> (0, 0)>
#map1 = affine_map<(d0, d1) -> (0)>
module attributes {stable_mosaic.version = 14 : i64} {
  func.func @scatter_k(%arg0: i32, %arg1: i32, %arg2: memref<2048x768xf32, #tpu.memory_space<hbm>>, %arg3: memref<2048xi32, #tpu.memory_space<hbm>>, %arg4: memref<2048x768xf32, #tpu.memory_space<hbm>>, %arg5: memref<64xi32, #tpu.memory_space<vmem>>, %arg6: memref<64x768xf32, #tpu.memory_space<vmem>>, %arg7: memref<!tpu.dma_semaphore, #tpu.memory_space<semaphore_mem>>) attributes {dimension_semantics = [#tpu.dimension_semantics<core_parallel>, #tpu.dimension_semantics<subcore_parallel>], iteration_bounds = array<i64: 2, 16>, scalar_prefetch = 0 : i64, scratch_operands = 3 : i64, tpu.core_type = #tpu.core_type<sc_vector_subcore>, window_params = [{transform_indices = #map}, {transform_indices = #map1}, {transform_indices = #map}]} {
    %mul3A = arith.constant 2 : i32
    %mul3A_0 = arith.muli %arg1, %mul3A : i32
    %add3A = arith.addi %mul3A_0, %arg0 : i32
    %mul3A_1 = arith.constant 64 : i32
    %mul3A_2 = arith.muli %add3A, %mul3A_1 : i32
    "tpu.region"() ({
      %run_scoped3A = tpu.sem_alloc : memref<!tpu.dma_semaphore, #tpu.memory_space<semaphore_mem>>
      %dma_start3A_7 = tpu.memref_slice %arg3[%mul3A_2] : memref<2048xi32, #tpu.memory_space<hbm>> -> memref<64xi32, #tpu.memory_space<hbm>>
      %dma_start3A_8 = tpu.memref_slice %arg3[%mul3A_2] : memref<2048xi32, #tpu.memory_space<hbm>> -> memref<64xi32, #tpu.memory_space<hbm>>
      tpu.enqueue_dma source(%dma_start3A_8 : memref<64xi32, #tpu.memory_space<hbm>>) target(%arg5 : memref<64xi32, #tpu.memory_space<vmem>>) target_semaphore(%run_scoped3A : memref<!tpu.dma_semaphore, #tpu.memory_space<semaphore_mem>>)
      %dma_wait3A_9 = tpu.memref_slice %arg3[%mul3A_2] : memref<2048xi32, #tpu.memory_space<hbm>> -> memref<64xi32, #tpu.memory_space<hbm>>
      %dma_wait3A_10 = tpu.memref_slice %arg3[%mul3A_2] : memref<2048xi32, #tpu.memory_space<hbm>> -> memref<64xi32, #tpu.memory_space<hbm>>
      tpu.wait_dma2 semaphore(%run_scoped3A : memref<!tpu.dma_semaphore, #tpu.memory_space<semaphore_mem>>) src(%dma_wait3A_10 : memref<64xi32, #tpu.memory_space<hbm>>) dst(%arg5 : memref<64xi32, #tpu.memory_space<vmem>>)
      tpu.yield
    }) : () -> ()
    "tpu.region"() ({
      %run_scoped3A = tpu.sem_alloc : memref<!tpu.dma_semaphore, #tpu.memory_space<semaphore_mem>>
      %dma_start3A_7 = arith.constant 0 : i32
      %dma_start3A_8 = tpu.memref_slice %arg2[%mul3A_2, %dma_start3A_7] : memref<2048x768xf32, #tpu.memory_space<hbm>> -> memref<64x768xf32, #tpu.memory_space<hbm>>
      %dma_start3A_9 = arith.constant 0 : i32
      %dma_start3A_10 = tpu.memref_slice %arg2[%mul3A_2, %dma_start3A_9] : memref<2048x768xf32, #tpu.memory_space<hbm>> -> memref<64x768xf32, #tpu.memory_space<hbm>>
      tpu.enqueue_dma source(%dma_start3A_10 : memref<64x768xf32, #tpu.memory_space<hbm>>) target(%arg6 : memref<64x768xf32, #tpu.memory_space<vmem>>) target_semaphore(%run_scoped3A : memref<!tpu.dma_semaphore, #tpu.memory_space<semaphore_mem>>)
      %dma_wait3A_11 = arith.constant 0 : i32
      %dma_wait3A_12 = tpu.memref_slice %arg2[%mul3A_2, %dma_wait3A_11] : memref<2048x768xf32, #tpu.memory_space<hbm>> -> memref<64x768xf32, #tpu.memory_space<hbm>>
      %dma_wait3A_13 = arith.constant 0 : i32
      %dma_wait3A_14 = tpu.memref_slice %arg2[%mul3A_2, %dma_wait3A_13] : memref<2048x768xf32, #tpu.memory_space<hbm>> -> memref<64x768xf32, #tpu.memory_space<hbm>>
      tpu.wait_dma2 semaphore(%run_scoped3A : memref<!tpu.dma_semaphore, #tpu.memory_space<semaphore_mem>>) src(%dma_wait3A_14 : memref<64x768xf32, #tpu.memory_space<hbm>>) dst(%arg6 : memref<64x768xf32, #tpu.memory_space<vmem>>)
      tpu.yield
    }) : () -> ()
    %dma_start3A = arith.constant 0 : i32
    %dma_start3A_3 = arith.constant 0 : i32
    %dma_start3A_4 = tpu.memref_slice %arg4[%dma_start3A, %dma_start3A_3] : memref<2048x768xf32, #tpu.memory_space<hbm>> -> memref<2048x768xf32, #tpu.memory_space<hbm>>
    tpu.enqueue_indirect_dma source(%arg6 : memref<64x768xf32, #tpu.memory_space<vmem>>) target(%dma_start3A_4 : memref<2048x768xf32, #tpu.memory_space<hbm>>) offsets(%arg5 : memref<64xi32, #tpu.memory_space<vmem>>) semaphore(%arg7 : memref<!tpu.dma_semaphore, #tpu.memory_space<semaphore_mem>>)
    %dma_wait3A = arith.constant 0 : i32
    %dma_wait3A_5 = arith.constant 0 : i32
    %dma_wait3A_6 = tpu.memref_slice %arg4[%dma_wait3A, %dma_wait3A_5] : memref<2048x768xf32, #tpu.memory_space<hbm>> -> memref<2048x768xf32, #tpu.memory_space<hbm>>
    tpu.wait_indirect_dma semaphore(%arg7 : memref<!tpu.dma_semaphore, #tpu.memory_space<semaphore_mem>>) src(%arg6 : memref<64x768xf32, #tpu.memory_space<vmem>>) dst(%dma_wait3A_6 : memref<2048x768xf32, #tpu.memory_space<hbm>>)
    return
  }
}

#map = affine_map<(d0, d1) -> (0, 0)>
#map1 = affine_map<(d0, d1) -> (0)>
module attributes {stable_mosaic.version = 14 : i64} {
  func.func @gather_k(%arg0: i32, %arg1: i32, %arg2: memref<2048x768xf32, #tpu.memory_space<hbm>>, %arg3: memref<2048xi32, #tpu.memory_space<hbm>>, %arg4: memref<2048x768xf32, #tpu.memory_space<hbm>>, %arg5: memref<64xi32, #tpu.memory_space<vmem>>, %arg6: memref<64x768xf32, #tpu.memory_space<vmem>>, %arg7: memref<!tpu.dma_semaphore, #tpu.memory_space<semaphore_mem>>) attributes {dimension_semantics = [#tpu.dimension_semantics<core_parallel>, #tpu.dimension_semantics<subcore_parallel>], iteration_bounds = array<i64: 2, 16>, scalar_prefetch = 0 : i64, scratch_operands = 3 : i64, tpu.core_type = #tpu.core_type<sc_vector_subcore>, window_params = [{transform_indices = #map}, {transform_indices = #map1}, {transform_indices = #map}]} {
    %mul3A = arith.constant 2 : i32
    %mul3A_0 = arith.muli %arg1, %mul3A : i32
    %add3A = arith.addi %mul3A_0, %arg0 : i32
    %mul3A_1 = arith.constant 64 : i32
    %mul3A_2 = arith.muli %add3A, %mul3A_1 : i32
    "tpu.region"() ({
      %run_scoped3A = tpu.sem_alloc : memref<!tpu.dma_semaphore, #tpu.memory_space<semaphore_mem>>
      %dma_start3A_7 = tpu.memref_slice %arg3[%mul3A_2] : memref<2048xi32, #tpu.memory_space<hbm>> -> memref<64xi32, #tpu.memory_space<hbm>>
      %dma_start3A_8 = tpu.memref_slice %arg3[%mul3A_2] : memref<2048xi32, #tpu.memory_space<hbm>> -> memref<64xi32, #tpu.memory_space<hbm>>
      tpu.enqueue_dma source(%dma_start3A_8 : memref<64xi32, #tpu.memory_space<hbm>>) target(%arg5 : memref<64xi32, #tpu.memory_space<vmem>>) target_semaphore(%run_scoped3A : memref<!tpu.dma_semaphore, #tpu.memory_space<semaphore_mem>>)
      %dma_wait3A_9 = tpu.memref_slice %arg3[%mul3A_2] : memref<2048xi32, #tpu.memory_space<hbm>> -> memref<64xi32, #tpu.memory_space<hbm>>
      %dma_wait3A_10 = tpu.memref_slice %arg3[%mul3A_2] : memref<2048xi32, #tpu.memory_space<hbm>> -> memref<64xi32, #tpu.memory_space<hbm>>
      tpu.wait_dma2 semaphore(%run_scoped3A : memref<!tpu.dma_semaphore, #tpu.memory_space<semaphore_mem>>) src(%dma_wait3A_10 : memref<64xi32, #tpu.memory_space<hbm>>) dst(%arg5 : memref<64xi32, #tpu.memory_space<vmem>>)
      tpu.yield
    }) : () -> ()
    %dma_start3A = arith.constant 0 : i32
    %dma_start3A_3 = arith.constant 0 : i32
    %dma_start3A_4 = tpu.memref_slice %arg2[%dma_start3A, %dma_start3A_3] : memref<2048x768xf32, #tpu.memory_space<hbm>> -> memref<2048x768xf32, #tpu.memory_space<hbm>>
    tpu.enqueue_indirect_dma source(%dma_start3A_4 : memref<2048x768xf32, #tpu.memory_space<hbm>>) target(%arg6 : memref<64x768xf32, #tpu.memory_space<vmem>>) offsets(%arg5 : memref<64xi32, #tpu.memory_space<vmem>>) semaphore(%arg7 : memref<!tpu.dma_semaphore, #tpu.memory_space<semaphore_mem>>)
    %dma_wait3A = arith.constant 0 : i32
    %dma_wait3A_5 = arith.constant 0 : i32
    %dma_wait3A_6 = tpu.memref_slice %arg2[%dma_wait3A, %dma_wait3A_5] : memref<2048x768xf32, #tpu.memory_space<hbm>> -> memref<2048x768xf32, #tpu.memory_space<hbm>>
    tpu.wait_indirect_dma semaphore(%arg7 : memref<!tpu.dma_semaphore, #tpu.memory_space<semaphore_mem>>) src(%dma_wait3A_6 : memref<2048x768xf32, #tpu.memory_space<hbm>>) dst(%arg6 : memref<64x768xf32, #tpu.memory_space<vmem>>)
    "tpu.region"() ({
      %run_scoped3A = tpu.sem_alloc : memref<!tpu.dma_semaphore, #tpu.memory_space<semaphore_mem>>
      %dma_start3A_7 = arith.constant 0 : i32
      %dma_start3A_8 = tpu.memref_slice %arg4[%mul3A_2, %dma_start3A_7] : memref<2048x768xf32, #tpu.memory_space<hbm>> -> memref<64x768xf32, #tpu.memory_space<hbm>>
      %dma_start3A_9 = arith.constant 0 : i32
      %dma_start3A_10 = tpu.memref_slice %arg4[%mul3A_2, %dma_start3A_9] : memref<2048x768xf32, #tpu.memory_space<hbm>> -> memref<64x768xf32, #tpu.memory_space<hbm>>
      tpu.enqueue_dma source(%arg6 : memref<64x768xf32, #tpu.memory_space<vmem>>) target(%dma_start3A_10 : memref<64x768xf32, #tpu.memory_space<hbm>>) target_semaphore(%run_scoped3A : memref<!tpu.dma_semaphore, #tpu.memory_space<semaphore_mem>>)
      %dma_wait3A_11 = arith.constant 0 : i32
      %dma_wait3A_12 = tpu.memref_slice %arg4[%mul3A_2, %dma_wait3A_11] : memref<2048x768xf32, #tpu.memory_space<hbm>> -> memref<64x768xf32, #tpu.memory_space<hbm>>
      %dma_wait3A_13 = arith.constant 0 : i32
      %dma_wait3A_14 = tpu.memref_slice %arg4[%mul3A_2, %dma_wait3A_13] : memref<2048x768xf32, #tpu.memory_space<hbm>> -> memref<64x768xf32, #tpu.memory_space<hbm>>
      tpu.wait_dma2 semaphore(%run_scoped3A : memref<!tpu.dma_semaphore, #tpu.memory_space<semaphore_mem>>) src(%arg6 : memref<64x768xf32, #tpu.memory_space<vmem>>) dst(%dma_wait3A_14 : memref<64x768xf32, #tpu.memory_space<hbm>>)
      tpu.yield
    }) : () -> ()
    return
  }
}

module attributes {stable_mosaic.version = 14 : i64} {
  func.func @_gating_body(%arg0: memref<2048x768xf32, #tpu.memory_space<vmem>>, %arg1: memref<768x128xf32, #tpu.memory_space<vmem>>, %arg2: memref<16x1x128xi32, #tpu.memory_space<vmem>>, %arg3: memref<16x1x128xi32, #tpu.memory_space<vmem>>, %arg4: memref<1x128xi32, #tpu.memory_space<vmem>>) attributes {dimension_semantics = [], scalar_prefetch = 0 : i64, scratch_operands = 0 : i64, tpu.core_type = #tpu.core_type<tc>} {
    %get3A = arith.constant 0 : index
    %get3A_0 = arith.constant 0 : index
    %get3A_1 = vector.load %arg0[%get3A, %get3A_0] : memref<2048x768xf32, #tpu.memory_space<vmem>>, vector<2048x768xf32>
    %get3A_2 = arith.constant 0 : index
    %get3A_3 = arith.constant 0 : index
    %get3A_4 = vector.load %arg1[%get3A_2, %get3A_3] : memref<768x128xf32, #tpu.memory_space<vmem>>, vector<768x128xf32>
    %dot_general3A = arith.constant dense<0.000000e+00> : vector<2048x128xf32>
    %dot_general3A_5 = tpu.matmul %get3A_1, %get3A_4, %dot_general3A {dimension_numbers = #tpu.dot_dimension_numbers<[1], [0], [0], [1], [0, 0, 1, 1], [], []>, transpose_lhs_hint = false} : vector<2048x768xf32>, vector<768x128xf32>, vector<2048x128xf32> -> vector<2048x128xf32>
    %iota3A = tpu.iota {dimensions = array<i32: 1>} : vector<2048x128xi32>
    %lt3A = arith.constant 64 : i32
    %lt3A_6 = vector.broadcast %lt3A : i32 to vector<2048x128xi32>
    %lt3A_7 = arith.cmpi slt, %iota3A, %lt3A_6 : vector<2048x128xi32>
    %jit3A = arith.constant 0xFF800000 : f32
    %broadcast_in_dim3A = vector.broadcast %jit3A : f32 to vector<2048x128xf32>
    %select_n3A = arith.select %lt3A_7, %dot_general3A_5, %broadcast_in_dim3A : vector<2048x128xi1>, vector<2048x128xf32>
    %reduce_max3A = arith.constant dense<0xFF800000> : vector<2048xf32>
    %reduce_max3A_8 = vector.multi_reduction <maximumf>, %select_n3A, %reduce_max3A [1] : vector<2048x128xf32> to vector<2048xf32>
    %broadcast_in_dim3A_9 = vector.shape_cast %reduce_max3A_8 : vector<2048xf32> to vector<2048x1xf32>
    %eq3A = vector.broadcast %broadcast_in_dim3A_9 : vector<2048x1xf32> to vector<2048x128xf32>
    %eq3A_10 = arith.cmpf oeq, %select_n3A, %eq3A : vector<2048x128xf32>
    %jit3A_11 = arith.constant 64 : i32
    %broadcast_in_dim3A_12 = vector.broadcast %jit3A_11 : i32 to vector<2048x128xi32>
    %select_n3A_13 = arith.select %eq3A_10, %iota3A, %broadcast_in_dim3A_12 : vector<2048x128xi1>, vector<2048x128xi32>
    %reduce_min3A = arith.constant dense<2147483647> : vector<2048xi32>
    %reduce_min3A_14 = vector.multi_reduction <minsi>, %select_n3A_13, %reduce_min3A [1] : vector<2048x128xi32> to vector<2048xi32>
    %broadcast_in_dim3A_15 = vector.shape_cast %reduce_min3A_14 : vector<2048xi32> to vector<2048x1xi32>
    %eq3A_16 = vector.broadcast %broadcast_in_dim3A_15 : vector<2048x1xi32> to vector<2048x128xi32>
    %eq3A_17 = arith.cmpi eq, %iota3A, %eq3A_16 : vector<2048x128xi32>
    %convert_element_type3A = arith.extui %eq3A_17 : vector<2048x128xi1> to vector<2048x128xi32>
    %broadcast_in_dim3A_18 = arith.constant 0 : i32
    %broadcast_in_dim3A_19 = vector.broadcast %broadcast_in_dim3A_18 : i32 to vector<1x128xi32>
    %slice3A = vector.extract_strided_slice %convert_element_type3A {offsets = [0, 0], sizes = [2047, 128], strides = [1, 1]} : vector<2048x128xi32> to vector<2047x128xi32>
    %concatenate3A = tpu.concatenate %broadcast_in_dim3A_19, %slice3A in 0 : vector<1x128xi32>, vector<2047x128xi32> -> vector<2048x128xi32>
    %add3A = arith.addi %convert_element_type3A, %concatenate3A : vector<2048x128xi32>
    %broadcast_in_dim3A_20 = arith.constant 0 : i32
    %broadcast_in_dim3A_21 = vector.broadcast %broadcast_in_dim3A_20 : i32 to vector<2x128xi32>
    %slice3A_22 = vector.extract_strided_slice %add3A {offsets = [0, 0], sizes = [2046, 128], strides = [1, 1]} : vector<2048x128xi32> to vector<2046x128xi32>
    %concatenate3A_23 = tpu.concatenate %broadcast_in_dim3A_21, %slice3A_22 in 0 : vector<2x128xi32>, vector<2046x128xi32> -> vector<2048x128xi32>
    %add3A_24 = arith.addi %add3A, %concatenate3A_23 : vector<2048x128xi32>
    %broadcast_in_dim3A_25 = arith.constant 0 : i32
    %broadcast_in_dim3A_26 = vector.broadcast %broadcast_in_dim3A_25 : i32 to vector<4x128xi32>
    %slice3A_27 = vector.extract_strided_slice %add3A_24 {offsets = [0, 0], sizes = [2044, 128], strides = [1, 1]} : vector<2048x128xi32> to vector<2044x128xi32>
    %concatenate3A_28 = tpu.concatenate %broadcast_in_dim3A_26, %slice3A_27 in 0 : vector<4x128xi32>, vector<2044x128xi32> -> vector<2048x128xi32>
    %add3A_29 = arith.addi %add3A_24, %concatenate3A_28 : vector<2048x128xi32>
    %broadcast_in_dim3A_30 = arith.constant 0 : i32
    %broadcast_in_dim3A_31 = vector.broadcast %broadcast_in_dim3A_30 : i32 to vector<8x128xi32>
    %slice3A_32 = vector.extract_strided_slice %add3A_29 {offsets = [0, 0], sizes = [2040, 128], strides = [1, 1]} : vector<2048x128xi32> to vector<2040x128xi32>
    %concatenate3A_33 = tpu.concatenate %broadcast_in_dim3A_31, %slice3A_32 in 0 : vector<8x128xi32>, vector<2040x128xi32> -> vector<2048x128xi32>
    %add3A_34 = arith.addi %add3A_29, %concatenate3A_33 : vector<2048x128xi32>
    %broadcast_in_dim3A_35 = arith.constant 0 : i32
    %broadcast_in_dim3A_36 = vector.broadcast %broadcast_in_dim3A_35 : i32 to vector<16x128xi32>
    %slice3A_37 = vector.extract_strided_slice %add3A_34 {offsets = [0, 0], sizes = [2032, 128], strides = [1, 1]} : vector<2048x128xi32> to vector<2032x128xi32>
    %concatenate3A_38 = tpu.concatenate %broadcast_in_dim3A_36, %slice3A_37 in 0 : vector<16x128xi32>, vector<2032x128xi32> -> vector<2048x128xi32>
    %add3A_39 = arith.addi %add3A_34, %concatenate3A_38 : vector<2048x128xi32>
    %broadcast_in_dim3A_40 = arith.constant 0 : i32
    %broadcast_in_dim3A_41 = vector.broadcast %broadcast_in_dim3A_40 : i32 to vector<32x128xi32>
    %slice3A_42 = vector.extract_strided_slice %add3A_39 {offsets = [0, 0], sizes = [2016, 128], strides = [1, 1]} : vector<2048x128xi32> to vector<2016x128xi32>
    %concatenate3A_43 = tpu.concatenate %broadcast_in_dim3A_41, %slice3A_42 in 0 : vector<32x128xi32>, vector<2016x128xi32> -> vector<2048x128xi32>
    %add3A_44 = arith.addi %add3A_39, %concatenate3A_43 : vector<2048x128xi32>
    %broadcast_in_dim3A_45 = arith.constant 0 : i32
    %broadcast_in_dim3A_46 = vector.broadcast %broadcast_in_dim3A_45 : i32 to vector<64x128xi32>
    %slice3A_47 = vector.extract_strided_slice %add3A_44 {offsets = [0, 0], sizes = [1984, 128], strides = [1, 1]} : vector<2048x128xi32> to vector<1984x128xi32>
    %concatenate3A_48 = tpu.concatenate %broadcast_in_dim3A_46, %slice3A_47 in 0 : vector<64x128xi32>, vector<1984x128xi32> -> vector<2048x128xi32>
    %add3A_49 = arith.addi %add3A_44, %concatenate3A_48 : vector<2048x128xi32>
    %broadcast_in_dim3A_50 = arith.constant 0 : i32
    %broadcast_in_dim3A_51 = vector.broadcast %broadcast_in_dim3A_50 : i32 to vector<128x128xi32>
    %slice3A_52 = vector.extract_strided_slice %add3A_49 {offsets = [0, 0], sizes = [1920, 128], strides = [1, 1]} : vector<2048x128xi32> to vector<1920x128xi32>
    %concatenate3A_53 = tpu.concatenate %broadcast_in_dim3A_51, %slice3A_52 in 0 : vector<128x128xi32>, vector<1920x128xi32> -> vector<2048x128xi32>
    %add3A_54 = arith.addi %add3A_49, %concatenate3A_53 : vector<2048x128xi32>
    %broadcast_in_dim3A_55 = arith.constant 0 : i32
    %broadcast_in_dim3A_56 = vector.broadcast %broadcast_in_dim3A_55 : i32 to vector<256x128xi32>
    %slice3A_57 = vector.extract_strided_slice %add3A_54 {offsets = [0, 0], sizes = [1792, 128], strides = [1, 1]} : vector<2048x128xi32> to vector<1792x128xi32>
    %concatenate3A_58 = tpu.concatenate %broadcast_in_dim3A_56, %slice3A_57 in 0 : vector<256x128xi32>, vector<1792x128xi32> -> vector<2048x128xi32>
    %add3A_59 = arith.addi %add3A_54, %concatenate3A_58 : vector<2048x128xi32>
    %broadcast_in_dim3A_60 = arith.constant 0 : i32
    %broadcast_in_dim3A_61 = vector.broadcast %broadcast_in_dim3A_60 : i32 to vector<512x128xi32>
    %slice3A_62 = vector.extract_strided_slice %add3A_59 {offsets = [0, 0], sizes = [1536, 128], strides = [1, 1]} : vector<2048x128xi32> to vector<1536x128xi32>
    %concatenate3A_63 = tpu.concatenate %broadcast_in_dim3A_61, %slice3A_62 in 0 : vector<512x128xi32>, vector<1536x128xi32> -> vector<2048x128xi32>
    %add3A_64 = arith.addi %add3A_59, %concatenate3A_63 : vector<2048x128xi32>
    %broadcast_in_dim3A_65 = arith.constant 0 : i32
    %broadcast_in_dim3A_66 = vector.broadcast %broadcast_in_dim3A_65 : i32 to vector<1024x128xi32>
    %slice3A_67 = vector.extract_strided_slice %add3A_64 {offsets = [0, 0], sizes = [1024, 128], strides = [1, 1]} : vector<2048x128xi32> to vector<1024x128xi32>
    %concatenate3A_68 = tpu.concatenate %broadcast_in_dim3A_66, %slice3A_67 in 0 : vector<1024x128xi32>, vector<1024x128xi32> -> vector<2048x128xi32>
    %add3A_69 = arith.addi %add3A_64, %concatenate3A_68 : vector<2048x128xi32>
    %mul3A = arith.muli %convert_element_type3A, %add3A_69 : vector<2048x128xi32>
    %reduce_sum3A = arith.constant dense<0> : vector<2048xi32>
    %reduce_sum3A_70 = vector.multi_reduction <add>, %mul3A, %reduce_sum3A [1] : vector<2048x128xi32> to vector<2048xi32>
    %sub3A = arith.constant 1 : i32
    %sub3A_71 = vector.broadcast %sub3A : i32 to vector<2048xi32>
    %sub3A_72 = arith.subi %reduce_sum3A_70, %sub3A_71 : vector<2048xi32>
    %reshape3A = vector.shape_cast %reduce_min3A_14 : vector<2048xi32> to vector<16x1x128xi32>
    %swap3A = arith.constant 0 : index
    %swap3A_73 = arith.constant 0 : index
    %swap3A_74 = arith.constant 0 : index
    %swap3A_75 = vector.load %arg2[%swap3A, %swap3A_73, %swap3A_74] : memref<16x1x128xi32, #tpu.memory_space<vmem>>, vector<16x1x128xi32>
    tpu.vector_store %arg2[%swap3A, %swap3A_73, %swap3A_74], %reshape3A {strides = array<i32>} : memref<16x1x128xi32, #tpu.memory_space<vmem>>, vector<16x1x128xi32>,
    %reshape3A_76 = vector.shape_cast %sub3A_72 : vector<2048xi32> to vector<16x1x128xi32>
    %swap3A_77 = arith.constant 0 : index
    %swap3A_78 = arith.constant 0 : index
    %swap3A_79 = arith.constant 0 : index
    %swap3A_80 = vector.load %arg3[%swap3A_77, %swap3A_78, %swap3A_79] : memref<16x1x128xi32, #tpu.memory_space<vmem>>, vector<16x1x128xi32>
    tpu.vector_store %arg3[%swap3A_77, %swap3A_78, %swap3A_79], %reshape3A_76 {strides = array<i32>} : memref<16x1x128xi32, #tpu.memory_space<vmem>>, vector<16x1x128xi32>,
    %slice3A_81 = vector.extract_strided_slice %add3A_69 {offsets = [2047, 0], sizes = [1, 128], strides = [1, 1]} : vector<2048x128xi32> to vector<1x128xi32>
    %swap3A_82 = arith.constant 0 : index
    %swap3A_83 = arith.constant 0 : index
    %swap3A_84 = vector.load %arg4[%swap3A_82, %swap3A_83] : memref<1x128xi32, #tpu.memory_space<vmem>>, vector<1x128xi32>
    tpu.vector_store %arg4[%swap3A_82, %swap3A_83], %slice3A_81 {strides = array<i32>} : memref<1x128xi32, #tpu.memory_space<vmem>>, vector<1x128xi32>,
    return
  }
}

module attributes {stable_mosaic.version = 14 : i64} {
  func.func @_meta_body(%arg0: i32, %arg1: memref<65xi32, #tpu.memory_space<smem>>, %arg2: memref<16x1x128xi32, #tpu.memory_space<vmem>>, %arg3: memref<16x1x128xi32, #tpu.memory_space<vmem>>, %arg4: memref<16x128xi32, #tpu.memory_space<vmem>>, %arg5: memref<128x8xi32, #tpu.memory_space<vmem>>) attributes {dimension_semantics = [#tpu.dimension_semantics<arbitrary>], iteration_bounds = array<i64: 1>, scalar_prefetch = 1 : i64, scratch_operands = 0 : i64, tpu.core_type = #tpu.core_type<tc>, window_params = [{pipeline_mode = #tpu.pipeline_mode<synchronous>, transform_indices = @transform_0, window_bounds = array<i64: 16, 1, 128>}, {pipeline_mode = #tpu.pipeline_mode<synchronous>, transform_indices = @transform_1, window_bounds = array<i64: 16, 1, 128>}, {pipeline_mode = #tpu.pipeline_mode<synchronous>, transform_indices = @transform_2, window_bounds = array<i64: 16, 128>}, {pipeline_mode = #tpu.pipeline_mode<synchronous>, transform_indices = @transform_3, window_bounds = array<i64: 128, 8>}]} {
    %get3A = arith.constant 0 : index
    %get3A_0 = arith.constant 0 : index
    %get3A_1 = arith.constant 0 : index
    %get3A_2 = vector.load %arg2[%get3A, %get3A_0, %get3A_1] : memref<16x1x128xi32, #tpu.memory_space<vmem>>, vector<16x1x128xi32>
    %reshape3A = vector.shape_cast %get3A_2 : vector<16x1x128xi32> to vector<16x128xi32>
    %get3A_3 = arith.constant 0 : index
    %get3A_4 = arith.constant 0 : index
    %get3A_5 = arith.constant 0 : index
    %get3A_6 = vector.load %arg3[%get3A_3, %get3A_4, %get3A_5] : memref<16x1x128xi32, #tpu.memory_space<vmem>>, vector<16x1x128xi32>
    %reshape3A_7 = vector.shape_cast %get3A_6 : vector<16x1x128xi32> to vector<16x128xi32>
    %broadcast_in_dim3A = arith.constant 0 : i32
    %broadcast_in_dim3A_8 = vector.broadcast %broadcast_in_dim3A : i32 to vector<16x128xi32>
    %broadcast_in_dim3A_9 = arith.constant 0 : i32
    %broadcast_in_dim3A_10 = vector.broadcast %broadcast_in_dim3A_9 : i32 to vector<1x128xi32>
    %scan3A = arith.constant 0 : i32
    %scan3A_11 = arith.constant 64 : i32
    %scan3A_12 = arith.addi %scan3A, %scan3A_11 : i32
    %scan3A_13 = arith.constant 1 : i32
    %scan3A_14:3 = scf.for %scan3A_411 = %scan3A to %scan3A_12 step %scan3A_13 iter_args(%scan3A_412 = %broadcast_in_dim3A_8, %scan3A_413 = %broadcast_in_dim3A_10, %scan3A_414 = %broadcast_in_dim3A_10) -> (vector<16x128xi32>, vector<1x128xi32>, vector<1x128xi32>)  : i32 {
      %get3A_415 = arith.index_cast %scan3A_411 : i32 to index
      %get3A_416 = memref.load %arg1[%get3A_415] : memref<65xi32, #tpu.memory_space<smem>>
      %add3A_417 = arith.constant 1 : i32
      %add3A_418 = arith.addi %scan3A_411, %add3A_417 : i32
      %get3A_419 = arith.index_cast %add3A_418 : i32 to index
      %get3A_420 = memref.load %arg1[%get3A_419] : memref<65xi32, #tpu.memory_space<smem>>
      %iota3A_421 = tpu.iota {dimensions = array<i32: 1>} : vector<1x128xi32>
      %eq3A_422 = vector.broadcast %scan3A_411 : i32 to vector<16x128xi32>
      %eq3A_423 = arith.cmpi eq, %reshape3A, %eq3A_422 : vector<16x128xi32>
      %broadcast_in_dim3A_424 = vector.broadcast %get3A_416 : i32 to vector<16x128xi32>
      %select_n3A_425 = arith.select %eq3A_423, %broadcast_in_dim3A_424, %scan3A_412 : vector<16x128xi1>, vector<16x128xi32>
      %eq3A_426 = vector.broadcast %scan3A_411 : i32 to vector<1x128xi32>
      %eq3A_427 = arith.cmpi eq, %iota3A_421, %eq3A_426 : vector<1x128xi32>
      %broadcast_in_dim3A_428 = vector.broadcast %get3A_416 : i32 to vector<1x128xi32>
      %select_n3A_429 = arith.select %eq3A_427, %broadcast_in_dim3A_428, %scan3A_413 : vector<1x128xi1>, vector<1x128xi32>
      %eq3A_430 = vector.broadcast %scan3A_411 : i32 to vector<1x128xi32>
      %eq3A_431 = arith.cmpi eq, %iota3A_421, %eq3A_430 : vector<1x128xi32>
      %broadcast_in_dim3A_432 = vector.broadcast %get3A_420 : i32 to vector<1x128xi32>
      %select_n3A_433 = arith.select %eq3A_431, %broadcast_in_dim3A_432, %scan3A_414 : vector<1x128xi1>, vector<1x128xi32>
      scf.yield %select_n3A_425, %select_n3A_429, %select_n3A_433 : vector<16x128xi32>, vector<1x128xi32>, vector<1x128xi32>
    }
    %scan3A_15 = arith.constant 64 : i32
    %add3A = arith.addi %scan3A_14#0, %reshape3A_7 : vector<16x128xi32>
    %swap3A = arith.constant 0 : index
    %swap3A_16 = arith.constant 0 : index
    %swap3A_17 = vector.load %arg4[%swap3A, %swap3A_16] : memref<16x128xi32, #tpu.memory_space<vmem>>, vector<16x128xi32>
    tpu.vector_store %arg4[%swap3A, %swap3A_16], %add3A {strides = array<i32>} : memref<16x128xi32, #tpu.memory_space<vmem>>, vector<16x128xi32>,
    %iota3A = tpu.iota {dimensions = array<i32: 1>} : vector<16x128xi32>
    %iota3A_18 = tpu.iota {dimensions = array<i32: 0>} : vector<16x128xi32>
    %add3A_19 = arith.constant 1 : i32
    %add3A_20 = vector.broadcast %add3A_19 : i32 to vector<16x128xi32>
    %add3A_21 = arith.addi %iota3A_18, %add3A_20 : vector<16x128xi32>
    %mul3A = arith.constant 128 : i32
    %mul3A_22 = vector.broadcast %mul3A : i32 to vector<16x128xi32>
    %mul3A_23 = arith.muli %add3A_21, %mul3A_22 : vector<16x128xi32>
    %lt3A = vector.broadcast %scan3A_14#1 : vector<1x128xi32> to vector<16x128xi32>
    %lt3A_24 = arith.cmpi slt, %lt3A, %mul3A_23 : vector<16x128xi32>
    %mul3A_25 = arith.constant 128 : i32
    %mul3A_26 = vector.broadcast %mul3A_25 : i32 to vector<16x128xi32>
    %mul3A_27 = arith.muli %iota3A_18, %mul3A_26 : vector<16x128xi32>
    %gt3A = vector.broadcast %scan3A_14#2 : vector<1x128xi32> to vector<16x128xi32>
    %gt3A_28 = arith.cmpi sgt, %gt3A, %mul3A_27 : vector<16x128xi32>
    %and3A = arith.andi %lt3A_24, %gt3A_28 : vector<16x128xi1>
    %gt3A_29 = arith.cmpi sgt, %scan3A_14#2, %scan3A_14#1 : vector<1x128xi32>
    %and3A_30 = vector.broadcast %gt3A_29 : vector<1x128xi1> to vector<16x128xi1>
    %and3A_31 = arith.andi %and3A, %and3A_30 : vector<16x128xi1>
    %lt3A_32 = arith.constant 64 : i32
    %lt3A_33 = vector.broadcast %lt3A_32 : i32 to vector<16x128xi32>
    %lt3A_34 = arith.cmpi slt, %iota3A, %lt3A_33 : vector<16x128xi32>
    %and3A_35 = arith.andi %and3A_31, %lt3A_34 : vector<16x128xi1>
    %convert_element_type3A = arith.extui %and3A_35 : vector<16x128xi1> to vector<16x128xi32>
    %convert_element_type3A_36 = arith.sitofp %convert_element_type3A : vector<16x128xi32> to vector<16x128xf32>
    %iota3A_37 = tpu.iota {dimensions = array<i32: 0>} : vector<128x128xi32>
    %iota3A_38 = tpu.iota {dimensions = array<i32: 1>} : vector<128x128xi32>
    %le3A = arith.cmpi sle, %iota3A_37, %iota3A_38 : vector<128x128xi32>
    %convert_element_type3A_39 = arith.extui %le3A : vector<128x128xi1> to vector<128x128xi32>
    %convert_element_type3A_40 = arith.sitofp %convert_element_type3A_39 : vector<128x128xi32> to vector<128x128xf32>
    %dot_general3A = arith.constant dense<0.000000e+00> : vector<16x128xf32>
    %dot_general3A_41 = tpu.matmul %convert_element_type3A_36, %convert_element_type3A_40, %dot_general3A {dimension_numbers = #tpu.dot_dimension_numbers<[1], [0], [0], [1], [0, 0, 1, 1], [], []>, transpose_lhs_hint = false} : vector<16x128xf32>, vector<128x128xf32>, vector<16x128xf32> -> vector<16x128xf32>
    %slice3A = vector.extract_strided_slice %dot_general3A_41 {offsets = [0, 127], sizes = [16, 1], strides = [1, 1]} : vector<16x128xf32> to vector<16x1xf32>
    %iota3A_42 = tpu.iota {dimensions = array<i32: 0>} : vector<16x16xi32>
    %iota3A_43 = tpu.iota {dimensions = array<i32: 1>} : vector<16x16xi32>
    %lt3A_44 = arith.cmpi slt, %iota3A_43, %iota3A_42 : vector<16x16xi32>
    %convert_element_type3A_45 = arith.extui %lt3A_44 : vector<16x16xi1> to vector<16x16xi32>
    %convert_element_type3A_46 = arith.sitofp %convert_element_type3A_45 : vector<16x16xi32> to vector<16x16xf32>
    %dot_general3A_47 = arith.constant dense<0.000000e+00> : vector<16x1xf32>
    %dot_general3A_48 = tpu.matmul %convert_element_type3A_46, %slice3A, %dot_general3A_47 {dimension_numbers = #tpu.dot_dimension_numbers<[1], [0], [0], [1], [0, 0, 1, 1], [], []>, transpose_lhs_hint = false} : vector<16x16xf32>, vector<16x1xf32>, vector<16x1xf32> -> vector<16x1xf32>
    %add3A_49 = vector.broadcast %dot_general3A_48 : vector<16x1xf32> to vector<16x128xf32>
    %add3A_50 = arith.addf %add3A_49, %dot_general3A_41 : vector<16x128xf32>
    %sub3A = arith.constant 1.000000e+00 : f32
    %sub3A_51 = vector.broadcast %sub3A : f32 to vector<16x128xf32>
    %sub3A_52 = arith.subf %add3A_50, %sub3A_51 : vector<16x128xf32>
    %jit3A = arith.constant 9.999000e+03 : f32
    %broadcast_in_dim3A_53 = vector.broadcast %jit3A : f32 to vector<16x128xf32>
    %select_n3A = arith.select %and3A_35, %sub3A_52, %broadcast_in_dim3A_53 : vector<16x128xi1>, vector<16x128xf32>
    %iota3A_54 = tpu.iota {dimensions = array<i32: 0>} : vector<128x1xi32>
    %convert_element_type3A_55 = arith.sitofp %iota3A_54 : vector<128x1xi32> to vector<128x1xf32>
    %iota3A_56 = tpu.iota {dimensions = array<i32: 1>} : vector<1x128xi32>
    %convert_element_type3A_57 = arith.sitofp %iota3A_56 : vector<1x128xi32> to vector<1x128xf32>
    %broadcast_in_dim3A_58 = arith.constant 0.000000e+00 : f32
    %broadcast_in_dim3A_59 = vector.broadcast %broadcast_in_dim3A_58 : f32 to vector<128x1xf32>
    %broadcast_in_dim3A_60 = arith.constant 0.000000e+00 : f32
    %broadcast_in_dim3A_61 = vector.broadcast %broadcast_in_dim3A_60 : f32 to vector<128x1xf32>
    %slice3A_62 = vector.extract_strided_slice %select_n3A {offsets = [0, 0], sizes = [1, 128], strides = [1, 1]} : vector<16x128xf32> to vector<1x128xf32>
    %eq3A = vector.broadcast %slice3A_62 : vector<1x128xf32> to vector<128x128xf32>
    %eq3A_63 = vector.broadcast %convert_element_type3A_55 : vector<128x1xf32> to vector<128x128xf32>
    %eq3A_64 = arith.cmpf oeq, %eq3A, %eq3A_63 : vector<128x128xf32>
    %convert_element_type3A_65 = arith.extui %eq3A_64 : vector<128x128xi1> to vector<128x128xi32>
    %convert_element_type3A_66 = arith.sitofp %convert_element_type3A_65 : vector<128x128xi32> to vector<128x128xf32>
    %reduce_sum3A = arith.constant dense<0.000000e+00> : vector<128xf32>
    %reduce_sum3A_67 = vector.multi_reduction <add>, %convert_element_type3A_66, %reduce_sum3A [1] : vector<128x128xf32> to vector<128xf32>
    %broadcast_in_dim3A_68 = vector.shape_cast %reduce_sum3A_67 : vector<128xf32> to vector<128x1xf32>
    %mul3A_69 = arith.constant 0.000000e+00 : f32
    %mul3A_70 = vector.broadcast %mul3A_69 : f32 to vector<128x1xf32>
    %mul3A_71 = arith.mulf %broadcast_in_dim3A_68, %mul3A_70 : vector<128x1xf32>
    %add3A_72 = arith.addf %broadcast_in_dim3A_59, %mul3A_71 : vector<128x1xf32>
    %mul3A_73 = vector.broadcast %convert_element_type3A_57 : vector<1x128xf32> to vector<128x128xf32>
    %mul3A_74 = arith.mulf %convert_element_type3A_66, %mul3A_73 : vector<128x128xf32>
    %reduce_sum3A_75 = arith.constant dense<0.000000e+00> : vector<128xf32>
    %reduce_sum3A_76 = vector.multi_reduction <add>, %mul3A_74, %reduce_sum3A_75 [1] : vector<128x128xf32> to vector<128xf32>
    %broadcast_in_dim3A_77 = vector.shape_cast %reduce_sum3A_76 : vector<128xf32> to vector<128x1xf32>
    %add3A_78 = arith.addf %broadcast_in_dim3A_61, %broadcast_in_dim3A_77 : vector<128x1xf32>
    %slice3A_79 = vector.extract_strided_slice %select_n3A {offsets = [1, 0], sizes = [1, 128], strides = [1, 1]} : vector<16x128xf32> to vector<1x128xf32>
    %eq3A_80 = vector.broadcast %slice3A_79 : vector<1x128xf32> to vector<128x128xf32>
    %eq3A_81 = vector.broadcast %convert_element_type3A_55 : vector<128x1xf32> to vector<128x128xf32>
    %eq3A_82 = arith.cmpf oeq, %eq3A_80, %eq3A_81 : vector<128x128xf32>
    %convert_element_type3A_83 = arith.extui %eq3A_82 : vector<128x128xi1> to vector<128x128xi32>
    %convert_element_type3A_84 = arith.sitofp %convert_element_type3A_83 : vector<128x128xi32> to vector<128x128xf32>
    %reduce_sum3A_85 = arith.constant dense<0.000000e+00> : vector<128xf32>
    %reduce_sum3A_86 = vector.multi_reduction <add>, %convert_element_type3A_84, %reduce_sum3A_85 [1] : vector<128x128xf32> to vector<128xf32>
    %broadcast_in_dim3A_87 = vector.shape_cast %reduce_sum3A_86 : vector<128xf32> to vector<128x1xf32>
    %mul3A_88 = arith.constant 1.000000e+00 : f32
    %mul3A_89 = vector.broadcast %mul3A_88 : f32 to vector<128x1xf32>
    %mul3A_90 = arith.mulf %broadcast_in_dim3A_87, %mul3A_89 : vector<128x1xf32>
    %add3A_91 = arith.addf %add3A_72, %mul3A_90 : vector<128x1xf32>
    %mul3A_92 = vector.broadcast %convert_element_type3A_57 : vector<1x128xf32> to vector<128x128xf32>
    %mul3A_93 = arith.mulf %convert_element_type3A_84, %mul3A_92 : vector<128x128xf32>
    %reduce_sum3A_94 = arith.constant dense<0.000000e+00> : vector<128xf32>
    %reduce_sum3A_95 = vector.multi_reduction <add>, %mul3A_93, %reduce_sum3A_94 [1] : vector<128x128xf32> to vector<128xf32>
    %broadcast_in_dim3A_96 = vector.shape_cast %reduce_sum3A_95 : vector<128xf32> to vector<128x1xf32>
    %add3A_97 = arith.addf %add3A_78, %broadcast_in_dim3A_96 : vector<128x1xf32>
    %slice3A_98 = vector.extract_strided_slice %select_n3A {offsets = [2, 0], sizes = [1, 128], strides = [1, 1]} : vector<16x128xf32> to vector<1x128xf32>
    %eq3A_99 = vector.broadcast %slice3A_98 : vector<1x128xf32> to vector<128x128xf32>
    %eq3A_100 = vector.broadcast %convert_element_type3A_55 : vector<128x1xf32> to vector<128x128xf32>
    %eq3A_101 = arith.cmpf oeq, %eq3A_99, %eq3A_100 : vector<128x128xf32>
    %convert_element_type3A_102 = arith.extui %eq3A_101 : vector<128x128xi1> to vector<128x128xi32>
    %convert_element_type3A_103 = arith.sitofp %convert_element_type3A_102 : vector<128x128xi32> to vector<128x128xf32>
    %reduce_sum3A_104 = arith.constant dense<0.000000e+00> : vector<128xf32>
    %reduce_sum3A_105 = vector.multi_reduction <add>, %convert_element_type3A_103, %reduce_sum3A_104 [1] : vector<128x128xf32> to vector<128xf32>
    %broadcast_in_dim3A_106 = vector.shape_cast %reduce_sum3A_105 : vector<128xf32> to vector<128x1xf32>
    %mul3A_107 = arith.constant 2.000000e+00 : f32
    %mul3A_108 = vector.broadcast %mul3A_107 : f32 to vector<128x1xf32>
    %mul3A_109 = arith.mulf %broadcast_in_dim3A_106, %mul3A_108 : vector<128x1xf32>
    %add3A_110 = arith.addf %add3A_91, %mul3A_109 : vector<128x1xf32>
    %mul3A_111 = vector.broadcast %convert_element_type3A_57 : vector<1x128xf32> to vector<128x128xf32>
    %mul3A_112 = arith.mulf %convert_element_type3A_103, %mul3A_111 : vector<128x128xf32>
    %reduce_sum3A_113 = arith.constant dense<0.000000e+00> : vector<128xf32>
    %reduce_sum3A_114 = vector.multi_reduction <add>, %mul3A_112, %reduce_sum3A_113 [1] : vector<128x128xf32> to vector<128xf32>
    %broadcast_in_dim3A_115 = vector.shape_cast %reduce_sum3A_114 : vector<128xf32> to vector<128x1xf32>
    %add3A_116 = arith.addf %add3A_97, %broadcast_in_dim3A_115 : vector<128x1xf32>
    %slice3A_117 = vector.extract_strided_slice %select_n3A {offsets = [3, 0], sizes = [1, 128], strides = [1, 1]} : vector<16x128xf32> to vector<1x128xf32>
    %eq3A_118 = vector.broadcast %slice3A_117 : vector<1x128xf32> to vector<128x128xf32>
    %eq3A_119 = vector.broadcast %convert_element_type3A_55 : vector<128x1xf32> to vector<128x128xf32>
    %eq3A_120 = arith.cmpf oeq, %eq3A_118, %eq3A_119 : vector<128x128xf32>
    %convert_element_type3A_121 = arith.extui %eq3A_120 : vector<128x128xi1> to vector<128x128xi32>
    %convert_element_type3A_122 = arith.sitofp %convert_element_type3A_121 : vector<128x128xi32> to vector<128x128xf32>
    %reduce_sum3A_123 = arith.constant dense<0.000000e+00> : vector<128xf32>
    %reduce_sum3A_124 = vector.multi_reduction <add>, %convert_element_type3A_122, %reduce_sum3A_123 [1] : vector<128x128xf32> to vector<128xf32>
    %broadcast_in_dim3A_125 = vector.shape_cast %reduce_sum3A_124 : vector<128xf32> to vector<128x1xf32>
    %mul3A_126 = arith.constant 3.000000e+00 : f32
    %mul3A_127 = vector.broadcast %mul3A_126 : f32 to vector<128x1xf32>
    %mul3A_128 = arith.mulf %broadcast_in_dim3A_125, %mul3A_127 : vector<128x1xf32>
    %add3A_129 = arith.addf %add3A_110, %mul3A_128 : vector<128x1xf32>
    %mul3A_130 = vector.broadcast %convert_element_type3A_57 : vector<1x128xf32> to vector<128x128xf32>
    %mul3A_131 = arith.mulf %convert_element_type3A_122, %mul3A_130 : vector<128x128xf32>
    %reduce_sum3A_132 = arith.constant dense<0.000000e+00> : vector<128xf32>
    %reduce_sum3A_133 = vector.multi_reduction <add>, %mul3A_131, %reduce_sum3A_132 [1] : vector<128x128xf32> to vector<128xf32>
    %broadcast_in_dim3A_134 = vector.shape_cast %reduce_sum3A_133 : vector<128xf32> to vector<128x1xf32>
    %add3A_135 = arith.addf %add3A_116, %broadcast_in_dim3A_134 : vector<128x1xf32>
    %slice3A_136 = vector.extract_strided_slice %select_n3A {offsets = [4, 0], sizes = [1, 128], strides = [1, 1]} : vector<16x128xf32> to vector<1x128xf32>
    %eq3A_137 = vector.broadcast %slice3A_136 : vector<1x128xf32> to vector<128x128xf32>
    %eq3A_138 = vector.broadcast %convert_element_type3A_55 : vector<128x1xf32> to vector<128x128xf32>
    %eq3A_139 = arith.cmpf oeq, %eq3A_137, %eq3A_138 : vector<128x128xf32>
    %convert_element_type3A_140 = arith.extui %eq3A_139 : vector<128x128xi1> to vector<128x128xi32>
    %convert_element_type3A_141 = arith.sitofp %convert_element_type3A_140 : vector<128x128xi32> to vector<128x128xf32>
    %reduce_sum3A_142 = arith.constant dense<0.000000e+00> : vector<128xf32>
    %reduce_sum3A_143 = vector.multi_reduction <add>, %convert_element_type3A_141, %reduce_sum3A_142 [1] : vector<128x128xf32> to vector<128xf32>
    %broadcast_in_dim3A_144 = vector.shape_cast %reduce_sum3A_143 : vector<128xf32> to vector<128x1xf32>
    %mul3A_145 = arith.constant 4.000000e+00 : f32
    %mul3A_146 = vector.broadcast %mul3A_145 : f32 to vector<128x1xf32>
    %mul3A_147 = arith.mulf %broadcast_in_dim3A_144, %mul3A_146 : vector<128x1xf32>
    %add3A_148 = arith.addf %add3A_129, %mul3A_147 : vector<128x1xf32>
    %mul3A_149 = vector.broadcast %convert_element_type3A_57 : vector<1x128xf32> to vector<128x128xf32>
    %mul3A_150 = arith.mulf %convert_element_type3A_141, %mul3A_149 : vector<128x128xf32>
    %reduce_sum3A_151 = arith.constant dense<0.000000e+00> : vector<128xf32>
    %reduce_sum3A_152 = vector.multi_reduction <add>, %mul3A_150, %reduce_sum3A_151 [1] : vector<128x128xf32> to vector<128xf32>
    %broadcast_in_dim3A_153 = vector.shape_cast %reduce_sum3A_152 : vector<128xf32> to vector<128x1xf32>
    %add3A_154 = arith.addf %add3A_135, %broadcast_in_dim3A_153 : vector<128x1xf32>
    %slice3A_155 = vector.extract_strided_slice %select_n3A {offsets = [5, 0], sizes = [1, 128], strides = [1, 1]} : vector<16x128xf32> to vector<1x128xf32>
    %eq3A_156 = vector.broadcast %slice3A_155 : vector<1x128xf32> to vector<128x128xf32>
    %eq3A_157 = vector.broadcast %convert_element_type3A_55 : vector<128x1xf32> to vector<128x128xf32>
    %eq3A_158 = arith.cmpf oeq, %eq3A_156, %eq3A_157 : vector<128x128xf32>
    %convert_element_type3A_159 = arith.extui %eq3A_158 : vector<128x128xi1> to vector<128x128xi32>
    %convert_element_type3A_160 = arith.sitofp %convert_element_type3A_159 : vector<128x128xi32> to vector<128x128xf32>
    %reduce_sum3A_161 = arith.constant dense<0.000000e+00> : vector<128xf32>
    %reduce_sum3A_162 = vector.multi_reduction <add>, %convert_element_type3A_160, %reduce_sum3A_161 [1] : vector<128x128xf32> to vector<128xf32>
    %broadcast_in_dim3A_163 = vector.shape_cast %reduce_sum3A_162 : vector<128xf32> to vector<128x1xf32>
    %mul3A_164 = arith.constant 5.000000e+00 : f32
    %mul3A_165 = vector.broadcast %mul3A_164 : f32 to vector<128x1xf32>
    %mul3A_166 = arith.mulf %broadcast_in_dim3A_163, %mul3A_165 : vector<128x1xf32>
    %add3A_167 = arith.addf %add3A_148, %mul3A_166 : vector<128x1xf32>
    %mul3A_168 = vector.broadcast %convert_element_type3A_57 : vector<1x128xf32> to vector<128x128xf32>
    %mul3A_169 = arith.mulf %convert_element_type3A_160, %mul3A_168 : vector<128x128xf32>
    %reduce_sum3A_170 = arith.constant dense<0.000000e+00> : vector<128xf32>
    %reduce_sum3A_171 = vector.multi_reduction <add>, %mul3A_169, %reduce_sum3A_170 [1] : vector<128x128xf32> to vector<128xf32>
    %broadcast_in_dim3A_172 = vector.shape_cast %reduce_sum3A_171 : vector<128xf32> to vector<128x1xf32>
    %add3A_173 = arith.addf %add3A_154, %broadcast_in_dim3A_172 : vector<128x1xf32>
    %slice3A_174 = vector.extract_strided_slice %select_n3A {offsets = [6, 0], sizes = [1, 128], strides = [1, 1]} : vector<16x128xf32> to vector<1x128xf32>
    %eq3A_175 = vector.broadcast %slice3A_174 : vector<1x128xf32> to vector<128x128xf32>
    %eq3A_176 = vector.broadcast %convert_element_type3A_55 : vector<128x1xf32> to vector<128x128xf32>
    %eq3A_177 = arith.cmpf oeq, %eq3A_175, %eq3A_176 : vector<128x128xf32>
    %convert_element_type3A_178 = arith.extui %eq3A_177 : vector<128x128xi1> to vector<128x128xi32>
    %convert_element_type3A_179 = arith.sitofp %convert_element_type3A_178 : vector<128x128xi32> to vector<128x128xf32>
    %reduce_sum3A_180 = arith.constant dense<0.000000e+00> : vector<128xf32>
    %reduce_sum3A_181 = vector.multi_reduction <add>, %convert_element_type3A_179, %reduce_sum3A_180 [1] : vector<128x128xf32> to vector<128xf32>
    %broadcast_in_dim3A_182 = vector.shape_cast %reduce_sum3A_181 : vector<128xf32> to vector<128x1xf32>
    %mul3A_183 = arith.constant 6.000000e+00 : f32
    %mul3A_184 = vector.broadcast %mul3A_183 : f32 to vector<128x1xf32>
    %mul3A_185 = arith.mulf %broadcast_in_dim3A_182, %mul3A_184 : vector<128x1xf32>
    %add3A_186 = arith.addf %add3A_167, %mul3A_185 : vector<128x1xf32>
    %mul3A_187 = vector.broadcast %convert_element_type3A_57 : vector<1x128xf32> to vector<128x128xf32>
    %mul3A_188 = arith.mulf %convert_element_type3A_179, %mul3A_187 : vector<128x128xf32>
    %reduce_sum3A_189 = arith.constant dense<0.000000e+00> : vector<128xf32>
    %reduce_sum3A_190 = vector.multi_reduction <add>, %mul3A_188, %reduce_sum3A_189 [1] : vector<128x128xf32> to vector<128xf32>
    %broadcast_in_dim3A_191 = vector.shape_cast %reduce_sum3A_190 : vector<128xf32> to vector<128x1xf32>
    %add3A_192 = arith.addf %add3A_173, %broadcast_in_dim3A_191 : vector<128x1xf32>
    %slice3A_193 = vector.extract_strided_slice %select_n3A {offsets = [7, 0], sizes = [1, 128], strides = [1, 1]} : vector<16x128xf32> to vector<1x128xf32>
    %eq3A_194 = vector.broadcast %slice3A_193 : vector<1x128xf32> to vector<128x128xf32>
    %eq3A_195 = vector.broadcast %convert_element_type3A_55 : vector<128x1xf32> to vector<128x128xf32>
    %eq3A_196 = arith.cmpf oeq, %eq3A_194, %eq3A_195 : vector<128x128xf32>
    %convert_element_type3A_197 = arith.extui %eq3A_196 : vector<128x128xi1> to vector<128x128xi32>
    %convert_element_type3A_198 = arith.sitofp %convert_element_type3A_197 : vector<128x128xi32> to vector<128x128xf32>
    %reduce_sum3A_199 = arith.constant dense<0.000000e+00> : vector<128xf32>
    %reduce_sum3A_200 = vector.multi_reduction <add>, %convert_element_type3A_198, %reduce_sum3A_199 [1] : vector<128x128xf32> to vector<128xf32>
    %broadcast_in_dim3A_201 = vector.shape_cast %reduce_sum3A_200 : vector<128xf32> to vector<128x1xf32>
    %mul3A_202 = arith.constant 7.000000e+00 : f32
    %mul3A_203 = vector.broadcast %mul3A_202 : f32 to vector<128x1xf32>
    %mul3A_204 = arith.mulf %broadcast_in_dim3A_201, %mul3A_203 : vector<128x1xf32>
    %add3A_205 = arith.addf %add3A_186, %mul3A_204 : vector<128x1xf32>
    %mul3A_206 = vector.broadcast %convert_element_type3A_57 : vector<1x128xf32> to vector<128x128xf32>
    %mul3A_207 = arith.mulf %convert_element_type3A_198, %mul3A_206 : vector<128x128xf32>
    %reduce_sum3A_208 = arith.constant dense<0.000000e+00> : vector<128xf32>
    %reduce_sum3A_209 = vector.multi_reduction <add>, %mul3A_207, %reduce_sum3A_208 [1] : vector<128x128xf32> to vector<128xf32>
    %broadcast_in_dim3A_210 = vector.shape_cast %reduce_sum3A_209 : vector<128xf32> to vector<128x1xf32>
    %add3A_211 = arith.addf %add3A_192, %broadcast_in_dim3A_210 : vector<128x1xf32>
    %slice3A_212 = vector.extract_strided_slice %select_n3A {offsets = [8, 0], sizes = [1, 128], strides = [1, 1]} : vector<16x128xf32> to vector<1x128xf32>
    %eq3A_213 = vector.broadcast %slice3A_212 : vector<1x128xf32> to vector<128x128xf32>
    %eq3A_214 = vector.broadcast %convert_element_type3A_55 : vector<128x1xf32> to vector<128x128xf32>
    %eq3A_215 = arith.cmpf oeq, %eq3A_213, %eq3A_214 : vector<128x128xf32>
    %convert_element_type3A_216 = arith.extui %eq3A_215 : vector<128x128xi1> to vector<128x128xi32>
    %convert_element_type3A_217 = arith.sitofp %convert_element_type3A_216 : vector<128x128xi32> to vector<128x128xf32>
    %reduce_sum3A_218 = arith.constant dense<0.000000e+00> : vector<128xf32>
    %reduce_sum3A_219 = vector.multi_reduction <add>, %convert_element_type3A_217, %reduce_sum3A_218 [1] : vector<128x128xf32> to vector<128xf32>
    %broadcast_in_dim3A_220 = vector.shape_cast %reduce_sum3A_219 : vector<128xf32> to vector<128x1xf32>
    %mul3A_221 = arith.constant 8.000000e+00 : f32
    %mul3A_222 = vector.broadcast %mul3A_221 : f32 to vector<128x1xf32>
    %mul3A_223 = arith.mulf %broadcast_in_dim3A_220, %mul3A_222 : vector<128x1xf32>
    %add3A_224 = arith.addf %add3A_205, %mul3A_223 : vector<128x1xf32>
    %mul3A_225 = vector.broadcast %convert_element_type3A_57 : vector<1x128xf32> to vector<128x128xf32>
    %mul3A_226 = arith.mulf %convert_element_type3A_217, %mul3A_225 : vector<128x128xf32>
    %reduce_sum3A_227 = arith.constant dense<0.000000e+00> : vector<128xf32>
    %reduce_sum3A_228 = vector.multi_reduction <add>, %mul3A_226, %reduce_sum3A_227 [1] : vector<128x128xf32> to vector<128xf32>
    %broadcast_in_dim3A_229 = vector.shape_cast %reduce_sum3A_228 : vector<128xf32> to vector<128x1xf32>
    %add3A_230 = arith.addf %add3A_211, %broadcast_in_dim3A_229 : vector<128x1xf32>
    %slice3A_231 = vector.extract_strided_slice %select_n3A {offsets = [9, 0], sizes = [1, 128], strides = [1, 1]} : vector<16x128xf32> to vector<1x128xf32>
    %eq3A_232 = vector.broadcast %slice3A_231 : vector<1x128xf32> to vector<128x128xf32>
    %eq3A_233 = vector.broadcast %convert_element_type3A_55 : vector<128x1xf32> to vector<128x128xf32>
    %eq3A_234 = arith.cmpf oeq, %eq3A_232, %eq3A_233 : vector<128x128xf32>
    %convert_element_type3A_235 = arith.extui %eq3A_234 : vector<128x128xi1> to vector<128x128xi32>
    %convert_element_type3A_236 = arith.sitofp %convert_element_type3A_235 : vector<128x128xi32> to vector<128x128xf32>
    %reduce_sum3A_237 = arith.constant dense<0.000000e+00> : vector<128xf32>
    %reduce_sum3A_238 = vector.multi_reduction <add>, %convert_element_type3A_236, %reduce_sum3A_237 [1] : vector<128x128xf32> to vector<128xf32>
    %broadcast_in_dim3A_239 = vector.shape_cast %reduce_sum3A_238 : vector<128xf32> to vector<128x1xf32>
    %mul3A_240 = arith.constant 9.000000e+00 : f32
    %mul3A_241 = vector.broadcast %mul3A_240 : f32 to vector<128x1xf32>
    %mul3A_242 = arith.mulf %broadcast_in_dim3A_239, %mul3A_241 : vector<128x1xf32>
    %add3A_243 = arith.addf %add3A_224, %mul3A_242 : vector<128x1xf32>
    %mul3A_244 = vector.broadcast %convert_element_type3A_57 : vector<1x128xf32> to vector<128x128xf32>
    %mul3A_245 = arith.mulf %convert_element_type3A_236, %mul3A_244 : vector<128x128xf32>
    %reduce_sum3A_246 = arith.constant dense<0.000000e+00> : vector<128xf32>
    %reduce_sum3A_247 = vector.multi_reduction <add>, %mul3A_245, %reduce_sum3A_246 [1] : vector<128x128xf32> to vector<128xf32>
    %broadcast_in_dim3A_248 = vector.shape_cast %reduce_sum3A_247 : vector<128xf32> to vector<128x1xf32>
    %add3A_249 = arith.addf %add3A_230, %broadcast_in_dim3A_248 : vector<128x1xf32>
    %slice3A_250 = vector.extract_strided_slice %select_n3A {offsets = [10, 0], sizes = [1, 128], strides = [1, 1]} : vector<16x128xf32> to vector<1x128xf32>
    %eq3A_251 = vector.broadcast %slice3A_250 : vector<1x128xf32> to vector<128x128xf32>
    %eq3A_252 = vector.broadcast %convert_element_type3A_55 : vector<128x1xf32> to vector<128x128xf32>
    %eq3A_253 = arith.cmpf oeq, %eq3A_251, %eq3A_252 : vector<128x128xf32>
    %convert_element_type3A_254 = arith.extui %eq3A_253 : vector<128x128xi1> to vector<128x128xi32>
    %convert_element_type3A_255 = arith.sitofp %convert_element_type3A_254 : vector<128x128xi32> to vector<128x128xf32>
    %reduce_sum3A_256 = arith.constant dense<0.000000e+00> : vector<128xf32>
    %reduce_sum3A_257 = vector.multi_reduction <add>, %convert_element_type3A_255, %reduce_sum3A_256 [1] : vector<128x128xf32> to vector<128xf32>
    %broadcast_in_dim3A_258 = vector.shape_cast %reduce_sum3A_257 : vector<128xf32> to vector<128x1xf32>
    %mul3A_259 = arith.constant 1.000000e+01 : f32
    %mul3A_260 = vector.broadcast %mul3A_259 : f32 to vector<128x1xf32>
    %mul3A_261 = arith.mulf %broadcast_in_dim3A_258, %mul3A_260 : vector<128x1xf32>
    %add3A_262 = arith.addf %add3A_243, %mul3A_261 : vector<128x1xf32>
    %mul3A_263 = vector.broadcast %convert_element_type3A_57 : vector<1x128xf32> to vector<128x128xf32>
    %mul3A_264 = arith.mulf %convert_element_type3A_255, %mul3A_263 : vector<128x128xf32>
    %reduce_sum3A_265 = arith.constant dense<0.000000e+00> : vector<128xf32>
    %reduce_sum3A_266 = vector.multi_reduction <add>, %mul3A_264, %reduce_sum3A_265 [1] : vector<128x128xf32> to vector<128xf32>
    %broadcast_in_dim3A_267 = vector.shape_cast %reduce_sum3A_266 : vector<128xf32> to vector<128x1xf32>
    %add3A_268 = arith.addf %add3A_249, %broadcast_in_dim3A_267 : vector<128x1xf32>
    %slice3A_269 = vector.extract_strided_slice %select_n3A {offsets = [11, 0], sizes = [1, 128], strides = [1, 1]} : vector<16x128xf32> to vector<1x128xf32>
    %eq3A_270 = vector.broadcast %slice3A_269 : vector<1x128xf32> to vector<128x128xf32>
    %eq3A_271 = vector.broadcast %convert_element_type3A_55 : vector<128x1xf32> to vector<128x128xf32>
    %eq3A_272 = arith.cmpf oeq, %eq3A_270, %eq3A_271 : vector<128x128xf32>
    %convert_element_type3A_273 = arith.extui %eq3A_272 : vector<128x128xi1> to vector<128x128xi32>
    %convert_element_type3A_274 = arith.sitofp %convert_element_type3A_273 : vector<128x128xi32> to vector<128x128xf32>
    %reduce_sum3A_275 = arith.constant dense<0.000000e+00> : vector<128xf32>
    %reduce_sum3A_276 = vector.multi_reduction <add>, %convert_element_type3A_274, %reduce_sum3A_275 [1] : vector<128x128xf32> to vector<128xf32>
    %broadcast_in_dim3A_277 = vector.shape_cast %reduce_sum3A_276 : vector<128xf32> to vector<128x1xf32>
    %mul3A_278 = arith.constant 1.100000e+01 : f32
    %mul3A_279 = vector.broadcast %mul3A_278 : f32 to vector<128x1xf32>
    %mul3A_280 = arith.mulf %broadcast_in_dim3A_277, %mul3A_279 : vector<128x1xf32>
    %add3A_281 = arith.addf %add3A_262, %mul3A_280 : vector<128x1xf32>
    %mul3A_282 = vector.broadcast %convert_element_type3A_57 : vector<1x128xf32> to vector<128x128xf32>
    %mul3A_283 = arith.mulf %convert_element_type3A_274, %mul3A_282 : vector<128x128xf32>
    %reduce_sum3A_284 = arith.constant dense<0.000000e+00> : vector<128xf32>
    %reduce_sum3A_285 = vector.multi_reduction <add>, %mul3A_283, %reduce_sum3A_284 [1] : vector<128x128xf32> to vector<128xf32>
    %broadcast_in_dim3A_286 = vector.shape_cast %reduce_sum3A_285 : vector<128xf32> to vector<128x1xf32>
    %add3A_287 = arith.addf %add3A_268, %broadcast_in_dim3A_286 : vector<128x1xf32>
    %slice3A_288 = vector.extract_strided_slice %select_n3A {offsets = [12, 0], sizes = [1, 128], strides = [1, 1]} : vector<16x128xf32> to vector<1x128xf32>
    %eq3A_289 = vector.broadcast %slice3A_288 : vector<1x128xf32> to vector<128x128xf32>
    %eq3A_290 = vector.broadcast %convert_element_type3A_55 : vector<128x1xf32> to vector<128x128xf32>
    %eq3A_291 = arith.cmpf oeq, %eq3A_289, %eq3A_290 : vector<128x128xf32>
    %convert_element_type3A_292 = arith.extui %eq3A_291 : vector<128x128xi1> to vector<128x128xi32>
    %convert_element_type3A_293 = arith.sitofp %convert_element_type3A_292 : vector<128x128xi32> to vector<128x128xf32>
    %reduce_sum3A_294 = arith.constant dense<0.000000e+00> : vector<128xf32>
    %reduce_sum3A_295 = vector.multi_reduction <add>, %convert_element_type3A_293, %reduce_sum3A_294 [1] : vector<128x128xf32> to vector<128xf32>
    %broadcast_in_dim3A_296 = vector.shape_cast %reduce_sum3A_295 : vector<128xf32> to vector<128x1xf32>
    %mul3A_297 = arith.constant 1.200000e+01 : f32
    %mul3A_298 = vector.broadcast %mul3A_297 : f32 to vector<128x1xf32>
    %mul3A_299 = arith.mulf %broadcast_in_dim3A_296, %mul3A_298 : vector<128x1xf32>
    %add3A_300 = arith.addf %add3A_281, %mul3A_299 : vector<128x1xf32>
    %mul3A_301 = vector.broadcast %convert_element_type3A_57 : vector<1x128xf32> to vector<128x128xf32>
    %mul3A_302 = arith.mulf %convert_element_type3A_293, %mul3A_301 : vector<128x128xf32>
    %reduce_sum3A_303 = arith.constant dense<0.000000e+00> : vector<128xf32>
    %reduce_sum3A_304 = vector.multi_reduction <add>, %mul3A_302, %reduce_sum3A_303 [1] : vector<128x128xf32> to vector<128xf32>
    %broadcast_in_dim3A_305 = vector.shape_cast %reduce_sum3A_304 : vector<128xf32> to vector<128x1xf32>
    %add3A_306 = arith.addf %add3A_287, %broadcast_in_dim3A_305 : vector<128x1xf32>
    %slice3A_307 = vector.extract_strided_slice %select_n3A {offsets = [13, 0], sizes = [1, 128], strides = [1, 1]} : vector<16x128xf32> to vector<1x128xf32>
    %eq3A_308 = vector.broadcast %slice3A_307 : vector<1x128xf32> to vector<128x128xf32>
    %eq3A_309 = vector.broadcast %convert_element_type3A_55 : vector<128x1xf32> to vector<128x128xf32>
    %eq3A_310 = arith.cmpf oeq, %eq3A_308, %eq3A_309 : vector<128x128xf32>
    %convert_element_type3A_311 = arith.extui %eq3A_310 : vector<128x128xi1> to vector<128x128xi32>
    %convert_element_type3A_312 = arith.sitofp %convert_element_type3A_311 : vector<128x128xi32> to vector<128x128xf32>
    %reduce_sum3A_313 = arith.constant dense<0.000000e+00> : vector<128xf32>
    %reduce_sum3A_314 = vector.multi_reduction <add>, %convert_element_type3A_312, %reduce_sum3A_313 [1] : vector<128x128xf32> to vector<128xf32>
    %broadcast_in_dim3A_315 = vector.shape_cast %reduce_sum3A_314 : vector<128xf32> to vector<128x1xf32>
    %mul3A_316 = arith.constant 1.300000e+01 : f32
    %mul3A_317 = vector.broadcast %mul3A_316 : f32 to vector<128x1xf32>
    %mul3A_318 = arith.mulf %broadcast_in_dim3A_315, %mul3A_317 : vector<128x1xf32>
    %add3A_319 = arith.addf %add3A_300, %mul3A_318 : vector<128x1xf32>
    %mul3A_320 = vector.broadcast %convert_element_type3A_57 : vector<1x128xf32> to vector<128x128xf32>
    %mul3A_321 = arith.mulf %convert_element_type3A_312, %mul3A_320 : vector<128x128xf32>
    %reduce_sum3A_322 = arith.constant dense<0.000000e+00> : vector<128xf32>
    %reduce_sum3A_323 = vector.multi_reduction <add>, %mul3A_321, %reduce_sum3A_322 [1] : vector<128x128xf32> to vector<128xf32>
    %broadcast_in_dim3A_324 = vector.shape_cast %reduce_sum3A_323 : vector<128xf32> to vector<128x1xf32>
    %add3A_325 = arith.addf %add3A_306, %broadcast_in_dim3A_324 : vector<128x1xf32>
    %slice3A_326 = vector.extract_strided_slice %select_n3A {offsets = [14, 0], sizes = [1, 128], strides = [1, 1]} : vector<16x128xf32> to vector<1x128xf32>
    %eq3A_327 = vector.broadcast %slice3A_326 : vector<1x128xf32> to vector<128x128xf32>
    %eq3A_328 = vector.broadcast %convert_element_type3A_55 : vector<128x1xf32> to vector<128x128xf32>
    %eq3A_329 = arith.cmpf oeq, %eq3A_327, %eq3A_328 : vector<128x128xf32>
    %convert_element_type3A_330 = arith.extui %eq3A_329 : vector<128x128xi1> to vector<128x128xi32>
    %convert_element_type3A_331 = arith.sitofp %convert_element_type3A_330 : vector<128x128xi32> to vector<128x128xf32>
    %reduce_sum3A_332 = arith.constant dense<0.000000e+00> : vector<128xf32>
    %reduce_sum3A_333 = vector.multi_reduction <add>, %convert_element_type3A_331, %reduce_sum3A_332 [1] : vector<128x128xf32> to vector<128xf32>
    %broadcast_in_dim3A_334 = vector.shape_cast %reduce_sum3A_333 : vector<128xf32> to vector<128x1xf32>
    %mul3A_335 = arith.constant 1.400000e+01 : f32
    %mul3A_336 = vector.broadcast %mul3A_335 : f32 to vector<128x1xf32>
    %mul3A_337 = arith.mulf %broadcast_in_dim3A_334, %mul3A_336 : vector<128x1xf32>
    %add3A_338 = arith.addf %add3A_319, %mul3A_337 : vector<128x1xf32>
    %mul3A_339 = vector.broadcast %convert_element_type3A_57 : vector<1x128xf32> to vector<128x128xf32>
    %mul3A_340 = arith.mulf %convert_element_type3A_331, %mul3A_339 : vector<128x128xf32>
    %reduce_sum3A_341 = arith.constant dense<0.000000e+00> : vector<128xf32>
    %reduce_sum3A_342 = vector.multi_reduction <add>, %mul3A_340, %reduce_sum3A_341 [1] : vector<128x128xf32> to vector<128xf32>
    %broadcast_in_dim3A_343 = vector.shape_cast %reduce_sum3A_342 : vector<128xf32> to vector<128x1xf32>
    %add3A_344 = arith.addf %add3A_325, %broadcast_in_dim3A_343 : vector<128x1xf32>
    %slice3A_345 = vector.extract_strided_slice %select_n3A {offsets = [15, 0], sizes = [1, 128], strides = [1, 1]} : vector<16x128xf32> to vector<1x128xf32>
    %eq3A_346 = vector.broadcast %slice3A_345 : vector<1x128xf32> to vector<128x128xf32>
    %eq3A_347 = vector.broadcast %convert_element_type3A_55 : vector<128x1xf32> to vector<128x128xf32>
    %eq3A_348 = arith.cmpf oeq, %eq3A_346, %eq3A_347 : vector<128x128xf32>
    %convert_element_type3A_349 = arith.extui %eq3A_348 : vector<128x128xi1> to vector<128x128xi32>
    %convert_element_type3A_350 = arith.sitofp %convert_element_type3A_349 : vector<128x128xi32> to vector<128x128xf32>
    %reduce_sum3A_351 = arith.constant dense<0.000000e+00> : vector<128xf32>
    %reduce_sum3A_352 = vector.multi_reduction <add>, %convert_element_type3A_350, %reduce_sum3A_351 [1] : vector<128x128xf32> to vector<128xf32>
    %broadcast_in_dim3A_353 = vector.shape_cast %reduce_sum3A_352 : vector<128xf32> to vector<128x1xf32>
    %mul3A_354 = arith.constant 1.500000e+01 : f32
    %mul3A_355 = vector.broadcast %mul3A_354 : f32 to vector<128x1xf32>
    %mul3A_356 = arith.mulf %broadcast_in_dim3A_353, %mul3A_355 : vector<128x1xf32>
    %add3A_357 = arith.addf %add3A_338, %mul3A_356 : vector<128x1xf32>
    %mul3A_358 = vector.broadcast %convert_element_type3A_57 : vector<1x128xf32> to vector<128x128xf32>
    %mul3A_359 = arith.mulf %convert_element_type3A_350, %mul3A_358 : vector<128x128xf32>
    %reduce_sum3A_360 = arith.constant dense<0.000000e+00> : vector<128xf32>
    %reduce_sum3A_361 = vector.multi_reduction <add>, %mul3A_359, %reduce_sum3A_360 [1] : vector<128x128xf32> to vector<128xf32>
    %broadcast_in_dim3A_362 = vector.shape_cast %reduce_sum3A_361 : vector<128xf32> to vector<128x1xf32>
    %add3A_363 = arith.addf %add3A_344, %broadcast_in_dim3A_362 : vector<128x1xf32>
    %reduce_sum3A_364 = vector.shape_cast %convert_element_type3A_36 : vector<16x128xf32> to vector<1x16x128xf32>
    %reduce_sum3A_365 = arith.constant dense<0.000000e+00> : vector<1xf32>
    %reduce_sum3A_366 = vector.multi_reduction <add>, %reduce_sum3A_364, %reduce_sum3A_365 [1, 2] : vector<1x16x128xf32> to vector<1xf32>
    %reduce_sum3A_367 = vector.shape_cast %reduce_sum3A_366 : vector<1xf32> to vector<1x1x1xf32>
    %reduce_sum3A_368 = vector.extract %reduce_sum3A_367[0, 0, 0] : f32 from vector<1x1x1xf32>
    %sub3A_369 = arith.constant 1.000000e+00 : f32
    %sub3A_370 = arith.subf %reduce_sum3A_368, %sub3A_369 : f32
    %eq3A_371 = vector.broadcast %sub3A_370 : f32 to vector<128x1xf32>
    %eq3A_372 = arith.cmpf oeq, %convert_element_type3A_55, %eq3A_371 : vector<128x1xf32>
    %jit3A_373 = arith.constant 0.000000e+00 : f32
    %broadcast_in_dim3A_374 = vector.broadcast %jit3A_373 : f32 to vector<128x1xf32>
    %select_n3A_375 = arith.select %eq3A_372, %add3A_357, %broadcast_in_dim3A_374 : vector<128x1xi1>, vector<128x1xf32>
    %reduce_sum3A_376 = vector.shape_cast %select_n3A_375 : vector<128x1xf32> to vector<1x128x1xf32>
    %reduce_sum3A_377 = arith.constant dense<0.000000e+00> : vector<1xf32>
    %reduce_sum3A_378 = vector.multi_reduction <add>, %reduce_sum3A_376, %reduce_sum3A_377 [1, 2] : vector<1x128x1xf32> to vector<1xf32>
    %reduce_sum3A_379 = vector.shape_cast %reduce_sum3A_378 : vector<1xf32> to vector<1x1x1xf32>
    %reduce_sum3A_380 = vector.extract %reduce_sum3A_379[0, 0, 0] : f32 from vector<1x1x1xf32>
    %sub3A_381 = arith.constant 1.000000e+00 : f32
    %sub3A_382 = arith.subf %reduce_sum3A_368, %sub3A_381 : f32
    %eq3A_383 = vector.broadcast %sub3A_382 : f32 to vector<128x1xf32>
    %eq3A_384 = arith.cmpf oeq, %convert_element_type3A_55, %eq3A_383 : vector<128x1xf32>
    %jit3A_385 = arith.constant 0.000000e+00 : f32
    %broadcast_in_dim3A_386 = vector.broadcast %jit3A_385 : f32 to vector<128x1xf32>
    %select_n3A_387 = arith.select %eq3A_384, %add3A_363, %broadcast_in_dim3A_386 : vector<128x1xi1>, vector<128x1xf32>
    %reduce_sum3A_388 = vector.shape_cast %select_n3A_387 : vector<128x1xf32> to vector<1x128x1xf32>
    %reduce_sum3A_389 = arith.constant dense<0.000000e+00> : vector<1xf32>
    %reduce_sum3A_390 = vector.multi_reduction <add>, %reduce_sum3A_388, %reduce_sum3A_389 [1, 2] : vector<1x128x1xf32> to vector<1xf32>
    %reduce_sum3A_391 = vector.shape_cast %reduce_sum3A_390 : vector<1xf32> to vector<1x1x1xf32>
    %reduce_sum3A_392 = vector.extract %reduce_sum3A_391[0, 0, 0] : f32 from vector<1x1x1xf32>
    %lt3A_393 = vector.broadcast %reduce_sum3A_368 : f32 to vector<128x1xf32>
    %lt3A_394 = arith.cmpf olt, %convert_element_type3A_55, %lt3A_393 : vector<128x1xf32>
    %broadcast_in_dim3A_395 = vector.broadcast %reduce_sum3A_380 : f32 to vector<128x1xf32>
    %select_n3A_396 = arith.select %lt3A_394, %add3A_357, %broadcast_in_dim3A_395 : vector<128x1xi1>, vector<128x1xf32>
    %convert_element_type3A_397 = arith.fptosi %select_n3A_396 : vector<128x1xf32> to vector<128x1xi32>
    %lt3A_398 = vector.broadcast %reduce_sum3A_368 : f32 to vector<128x1xf32>
    %lt3A_399 = arith.cmpf olt, %convert_element_type3A_55, %lt3A_398 : vector<128x1xf32>
    %broadcast_in_dim3A_400 = vector.broadcast %reduce_sum3A_392 : f32 to vector<128x1xf32>
    %select_n3A_401 = arith.select %lt3A_399, %add3A_363, %broadcast_in_dim3A_400 : vector<128x1xi1>, vector<128x1xf32>
    %convert_element_type3A_402 = arith.fptosi %select_n3A_401 : vector<128x1xf32> to vector<128x1xi32>
    %lt3A_403 = vector.broadcast %reduce_sum3A_368 : f32 to vector<128x1xf32>
    %lt3A_404 = arith.cmpf olt, %convert_element_type3A_55, %lt3A_403 : vector<128x1xf32>
    %convert_element_type3A_405 = arith.extui %lt3A_404 : vector<128x1xi1> to vector<128x1xi32>
    %broadcast_in_dim3A_406 = arith.constant 0 : i32
    %broadcast_in_dim3A_407 = vector.broadcast %broadcast_in_dim3A_406 : i32 to vector<128x5xi32>
    %concatenate3A = tpu.concatenate %convert_element_type3A_397, %convert_element_type3A_402, %convert_element_type3A_405, %broadcast_in_dim3A_407 in 1 : vector<128x1xi32>, vector<128x1xi32>, vector<128x1xi32>, vector<128x5xi32> -> vector<128x8xi32>
    %swap3A_408 = arith.constant 0 : index
    %swap3A_409 = arith.constant 0 : index
    %swap3A_410 = vector.load %arg5[%swap3A_408, %swap3A_409] : memref<128x8xi32, #tpu.memory_space<vmem>>, vector<128x8xi32>
    tpu.vector_store %arg5[%swap3A_408, %swap3A_409], %concatenate3A {strides = array<i32>} : memref<128x8xi32, #tpu.memory_space<vmem>>, vector<128x8xi32>,
    return
  }
  func.func @transform_0(%arg0: i32, %arg1: memref<65xi32, #tpu.memory_space<smem>>) -> (i32, i32, i32) {
    %c0_i32 = arith.constant 0 : i32
    %c0_i32_0 = arith.constant 0 : i32
    %c0_i32_1 = arith.constant 0 : i32
    %c0_i32_2 = arith.constant 0 : i32
    return %c0_i32, %c0_i32_0, %c0_i32_1 : i32, i32, i32
  }
  func.func @transform_1(%arg0: i32, %arg1: memref<65xi32, #tpu.memory_space<smem>>) -> (i32, i32, i32) {
    %c0_i32 = arith.constant 0 : i32
    %c0_i32_0 = arith.constant 0 : i32
    %c0_i32_1 = arith.constant 0 : i32
    %c0_i32_2 = arith.constant 0 : i32
    return %c0_i32, %c0_i32_0, %c0_i32_1 : i32, i32, i32
  }
  func.func @transform_2(%arg0: i32, %arg1: memref<65xi32, #tpu.memory_space<smem>>) -> (i32, i32) {
    %c0_i32 = arith.constant 0 : i32
    %c0_i32_0 = arith.constant 0 : i32
    %c0_i32_1 = arith.constant 0 : i32
    return %c0_i32, %c0_i32_0 : i32, i32
  }
  func.func @transform_3(%arg0: i32, %arg1: memref<65xi32, #tpu.memory_space<smem>>) -> (i32, i32) {
    %c0_i32 = arith.constant 0 : i32
    %c0_i32_0 = arith.constant 0 : i32
    %c0_i32_1 = arith.constant 0 : i32
    return %c0_i32, %c0_i32_0 : i32, i32
  }
}

module attributes {stable_mosaic.version = 14 : i64} {
  func.func @_ffn_body(%arg0: i32, %arg1: i32, %arg2: memref<79xi32, #tpu.memory_space<smem>>, %arg3: memref<79xi32, #tpu.memory_space<smem>>, %arg4: memref<79xi32, #tpu.memory_space<smem>>, %arg5: memref<65xi32, #tpu.memory_space<smem>>, %arg6: memref<128x768xf32, #tpu.memory_space<vmem>>, %arg7: memref<1x768x1024xf32, #tpu.memory_space<vmem>>, %arg8: memref<1x1024x768xf32, #tpu.memory_space<vmem>>, %arg9: memref<768x128xf32, #tpu.memory_space<vmem>>, %arg10: memref<128x768xf32, #tpu.memory_space<vmem>>, %arg11: memref<128x1xf32, #tpu.memory_space<vmem>>) attributes {dimension_semantics = [#tpu.dimension_semantics<arbitrary>, #tpu.dimension_semantics<arbitrary>], iteration_bounds = array<i64: 79, 1>, scalar_prefetch = 4 : i64, scratch_operands = 1 : i64, tpu.core_type = #tpu.core_type<tc>, window_params = [{transform_indices = @transform_0, window_bounds = array<i64: 128, 768>}, {transform_indices = @transform_1, window_bounds = array<i64: 1, 768, 1024>}, {transform_indices = @transform_2, window_bounds = array<i64: 1, 1024, 768>}, {pipeline_mode = #tpu.pipeline_mode<synchronous>, transform_indices = @transform_3, window_bounds = array<i64: 768, 128>}, {transform_indices = @transform_4, window_bounds = array<i64: 128, 768>}]} {
    %get3A = arith.index_cast %arg0 : i32 to index
    %get3A_0 = memref.load %arg2[%get3A] : memref<79xi32, #tpu.memory_space<smem>>
    %get3A_1 = arith.index_cast %arg0 : i32 to index
    %get3A_2 = memref.load %arg3[%get3A_1] : memref<79xi32, #tpu.memory_space<smem>>
    %get3A_3 = arith.index_cast %arg0 : i32 to index
    %get3A_4 = memref.load %arg4[%get3A_3] : memref<79xi32, #tpu.memory_space<smem>>
    %sub3A = arith.constant 1 : i32
    %sub3A_5 = arith.subi %arg0, %sub3A : i32
    %max3A = arith.constant 0 : i32
    %max3A_6 = arith.maxsi %sub3A_5, %max3A : i32
    %get3A_7 = arith.index_cast %max3A_6 : i32 to index
    %get3A_8 = memref.load %arg2[%get3A_7] : memref<79xi32, #tpu.memory_space<smem>>
    %eq3A = arith.constant 0 : i32
    %eq3A_9 = arith.cmpi eq, %arg1, %eq3A : i32
    %eq3A_10 = arith.constant 0 : i32
    %eq3A_11 = arith.cmpi eq, %arg0, %eq3A_10 : i32
    %ne3A = arith.cmpi ne, %get3A_8, %get3A_0 : i32
    %or3A = arith.ori %eq3A_11, %ne3A : i1
    %and3A = arith.andi %eq3A_9, %or3A : i1
    %convert_element_type3A = arith.extui %and3A : i1 to i32
    %cond3A = arith.constant 0 : i32
    %cond3A_12 = arith.cmpi ne, %convert_element_type3A, %cond3A : i32
    scf.if %cond3A_12 {
      %broadcast_in_dim3A_67 = arith.constant 0.000000e+00 : f32
      %broadcast_in_dim3A_68 = vector.broadcast %broadcast_in_dim3A_67 : f32 to vector<128x768xf32>
      %swap3A_69 = arith.constant 0 : index
      %swap3A_70 = arith.constant 0 : index
      %swap3A_71 = vector.load %arg10[%swap3A_69, %swap3A_70] : memref<128x768xf32, #tpu.memory_space<vmem>>, vector<128x768xf32>
      tpu.vector_store %arg10[%swap3A_69, %swap3A_70], %broadcast_in_dim3A_68 {strides = array<i32>} : memref<128x768xf32, #tpu.memory_space<vmem>>, vector<128x768xf32>,
    } else {
    }
    %get3A_13 = arith.constant 0 : index
    %get3A_14 = arith.constant 0 : index
    %get3A_15 = vector.load %arg6[%get3A_13, %get3A_14] : memref<128x768xf32, #tpu.memory_space<vmem>>, vector<128x768xf32>
    %eq3A_16 = arith.constant 0 : i32
    %eq3A_17 = arith.cmpi eq, %arg1, %eq3A_16 : i32
    %convert_element_type3A_18 = arith.extui %eq3A_17 : i1 to i32
    %cond3A_19 = arith.constant 0 : i32
    %cond3A_20 = arith.cmpi ne, %convert_element_type3A_18, %cond3A_19 : i32
    scf.if %cond3A_20 {
      %get3A_67 = arith.constant 0 : index
      %get3A_68 = arith.constant 0 : index
      %get3A_69 = vector.load %arg9[%get3A_67, %get3A_68] : memref<768x128xf32, #tpu.memory_space<vmem>>, vector<768x128xf32>
      %dot_general3A_70 = arith.constant dense<0.000000e+00> : vector<128x128xf32>
      %dot_general3A_71 = tpu.matmul %get3A_15, %get3A_69, %dot_general3A_70 {dimension_numbers = #tpu.dot_dimension_numbers<[1], [0], [0], [1], [0, 0, 1, 1], [], []>, transpose_lhs_hint = false} : vector<128x768xf32>, vector<768x128xf32>, vector<128x128xf32> -> vector<128x128xf32>
      %iota3A_72 = tpu.iota {dimensions = array<i32: 1>} : vector<128x128xi32>
      %lt3A_73 = arith.constant 64 : i32
      %lt3A_74 = vector.broadcast %lt3A_73 : i32 to vector<128x128xi32>
      %lt3A_75 = arith.cmpi slt, %iota3A_72, %lt3A_74 : vector<128x128xi32>
      %jit3A_76 = arith.constant 0xFF800000 : f32
      %broadcast_in_dim3A_77 = vector.broadcast %jit3A_76 : f32 to vector<128x128xf32>
      %select_n3A_78 = arith.select %lt3A_75, %dot_general3A_71, %broadcast_in_dim3A_77 : vector<128x128xi1>, vector<128x128xf32>
      %reduce_max3A = arith.constant dense<0xFF800000> : vector<128xf32>
      %reduce_max3A_79 = vector.multi_reduction <maximumf>, %select_n3A_78, %reduce_max3A [1] : vector<128x128xf32> to vector<128xf32>
      %broadcast_in_dim3A_80 = vector.shape_cast %reduce_max3A_79 : vector<128xf32> to vector<128x1xf32>
      %sub3A_81 = vector.broadcast %broadcast_in_dim3A_80 : vector<128x1xf32> to vector<128x128xf32>
      %sub3A_82 = arith.subf %select_n3A_78, %sub3A_81 : vector<128x128xf32>
      %exp3A = math.exp %sub3A_82 : vector<128x128xf32>
      %reduce_sum3A = arith.constant dense<0.000000e+00> : vector<128xf32>
      %reduce_sum3A_83 = vector.multi_reduction <add>, %exp3A, %reduce_sum3A [1] : vector<128x128xf32> to vector<128xf32>
      %broadcast_in_dim3A_84 = vector.shape_cast %reduce_sum3A_83 : vector<128xf32> to vector<128x1xf32>
      %div3A = arith.constant 1.000000e+00 : f32
      %div3A_85 = vector.broadcast %div3A : f32 to vector<128x1xf32>
      %div3A_86 = arith.divf %div3A_85, %broadcast_in_dim3A_84 : vector<128x1xf32>
      %swap3A_87 = arith.constant 0 : index
      %swap3A_88 = arith.constant 0 : index
      %swap3A_89 = vector.load %arg11[%swap3A_87, %swap3A_88] : memref<128x1xf32, #tpu.memory_space<vmem>>, vector<128x1xf32>
      tpu.vector_store %arg11[%swap3A_87, %swap3A_88], %div3A_86 {strides = array<i32>} : memref<128x1xf32, #tpu.memory_space<vmem>>, vector<128x1xf32>,
    } else {
    }
    %get3A_21 = arith.constant 0 : index
    %get3A_22 = arith.constant 0 : index
    %get3A_23 = arith.constant 0 : index
    %get3A_24 = vector.load %arg7[%get3A_21, %get3A_22, %get3A_23] : memref<1x768x1024xf32, #tpu.memory_space<vmem>>, vector<1x768x1024xf32>
    %get3A_25 = vector.shape_cast %get3A_24 : vector<1x768x1024xf32> to vector<768x1024xf32>
    %dot_general3A = arith.constant dense<0.000000e+00> : vector<128x1024xf32>
    %dot_general3A_26 = tpu.matmul %get3A_15, %get3A_25, %dot_general3A {dimension_numbers = #tpu.dot_dimension_numbers<[1], [0], [0], [1], [0, 0, 1, 1], [], []>, transpose_lhs_hint = false} : vector<128x768xf32>, vector<768x1024xf32>, vector<128x1024xf32> -> vector<128x1024xf32>
    %logistic3A = arith.negf %dot_general3A_26 : vector<128x1024xf32>
    %logistic3A_27 = math.exp %logistic3A : vector<128x1024xf32>
    %logistic3A_28 = arith.constant 1.000000e+00 : f32
    %logistic3A_29 = vector.broadcast %logistic3A_28 : f32 to vector<128x1024xf32>
    %logistic3A_30 = arith.addf %logistic3A_29, %logistic3A_27 : vector<128x1024xf32>
    %logistic3A_31 = arith.divf %logistic3A_29, %logistic3A_30 : vector<128x1024xf32>
    %mul3A = arith.mulf %dot_general3A_26, %logistic3A_31 : vector<128x1024xf32>
    %get3A_32 = arith.constant 0 : index
    %get3A_33 = arith.constant 0 : index
    %get3A_34 = arith.constant 0 : index
    %get3A_35 = vector.load %arg8[%get3A_32, %get3A_33, %get3A_34] : memref<1x1024x768xf32, #tpu.memory_space<vmem>>, vector<1x1024x768xf32>
    %get3A_36 = vector.shape_cast %get3A_35 : vector<1x1024x768xf32> to vector<1024x768xf32>
    %dot_general3A_37 = arith.constant dense<0.000000e+00> : vector<128x768xf32>
    %dot_general3A_38 = tpu.matmul %mul3A, %get3A_36, %dot_general3A_37 {dimension_numbers = #tpu.dot_dimension_numbers<[1], [0], [0], [1], [0, 0, 1, 1], [], []>, transpose_lhs_hint = false} : vector<128x1024xf32>, vector<1024x768xf32>, vector<128x768xf32> -> vector<128x768xf32>
    %mul3A_39 = arith.constant 128 : i32
    %mul3A_40 = arith.muli %get3A_0, %mul3A_39 : i32
    %iota3A = tpu.iota {dimensions = array<i32: 0>} : vector<128x1xi32>
    %add3A = vector.broadcast %mul3A_40 : i32 to vector<128x1xi32>
    %add3A_41 = arith.addi %add3A, %iota3A : vector<128x1xi32>
    %get3A_42 = arith.index_cast %get3A_2 : i32 to index
    %get3A_43 = memref.load %arg5[%get3A_42] : memref<65xi32, #tpu.memory_space<smem>>
    %ge3A = vector.broadcast %get3A_43 : i32 to vector<128x1xi32>
    %ge3A_44 = arith.cmpi sge, %add3A_41, %ge3A : vector<128x1xi32>
    %add3A_45 = arith.constant 1 : i32
    %add3A_46 = arith.addi %get3A_2, %add3A_45 : i32
    %get3A_47 = arith.index_cast %add3A_46 : i32 to index
    %get3A_48 = memref.load %arg5[%get3A_47] : memref<65xi32, #tpu.memory_space<smem>>
    %lt3A = vector.broadcast %get3A_48 : i32 to vector<128x1xi32>
    %lt3A_49 = arith.cmpi slt, %add3A_41, %lt3A : vector<128x1xi32>
    %and3A_50 = arith.andi %ge3A_44, %lt3A_49 : vector<128x1xi1>
    %gt3A = arith.constant 0 : i32
    %gt3A_51 = arith.cmpi sgt, %get3A_4, %gt3A : i32
    %and3A_52 = vector.broadcast %gt3A_51 : i1 to vector<128x1xi1>
    %and3A_53 = arith.andi %and3A_50, %and3A_52 : vector<128x1xi1>
    %get3A_54 = arith.constant 0 : index
    %get3A_55 = arith.constant 0 : index
    %get3A_56 = vector.load %arg10[%get3A_54, %get3A_55] : memref<128x768xf32, #tpu.memory_space<vmem>>, vector<128x768xf32>
    %get3A_57 = arith.constant 0 : index
    %get3A_58 = arith.constant 0 : index
    %get3A_59 = vector.load %arg11[%get3A_57, %get3A_58] : memref<128x1xf32, #tpu.memory_space<vmem>>, vector<128x1xf32>
    %mul3A_60 = vector.broadcast %get3A_59 : vector<128x1xf32> to vector<128x768xf32>
    %mul3A_61 = arith.mulf %dot_general3A_38, %mul3A_60 : vector<128x768xf32>
    %jit3A = arith.constant 0.000000e+00 : f32
    %broadcast_in_dim3A = vector.shape_cast %and3A_53 : vector<128x1xi1> to vector<128x1xi1>
    %broadcast_in_dim3A_62 = vector.broadcast %broadcast_in_dim3A : vector<128x1xi1> to vector<128x768xi1>
    %broadcast_in_dim3A_63 = vector.broadcast %jit3A : f32 to vector<128x768xf32>
    %select_n3A = arith.select %broadcast_in_dim3A_62, %mul3A_61, %broadcast_in_dim3A_63 : vector<128x768xi1>, vector<128x768xf32>
    %add3A_64 = arith.addf %get3A_56, %select_n3A : vector<128x768xf32>
    %swap3A = arith.constant 0 : index
    %swap3A_65 = arith.constant 0 : index
    %swap3A_66 = vector.load %arg10[%swap3A, %swap3A_65] : memref<128x768xf32, #tpu.memory_space<vmem>>, vector<128x768xf32>
    tpu.vector_store %arg10[%swap3A, %swap3A_65], %add3A_64 {strides = array<i32>} : memref<128x768xf32, #tpu.memory_space<vmem>>, vector<128x768xf32>,
    return
  }
  func.func @transform_0(%arg0: i32, %arg1: i32, %arg2: memref<79xi32, #tpu.memory_space<smem>>, %arg3: memref<79xi32, #tpu.memory_space<smem>>, %arg4: memref<79xi32, #tpu.memory_space<smem>>, %arg5: memref<65xi32, #tpu.memory_space<smem>>) -> (i32, i32) {
    %get3A = arith.index_cast %arg0 : i32 to index
    %get3A_0 = memref.load %arg2[%get3A] : memref<79xi32, #tpu.memory_space<smem>>
    %c0_i32 = arith.constant 0 : i32
    %c0_i32_1 = arith.constant 0 : i32
    return %get3A_0, %c0_i32 : i32, i32
  }
  func.func @transform_1(%arg0: i32, %arg1: i32, %arg2: memref<79xi32, #tpu.memory_space<smem>>, %arg3: memref<79xi32, #tpu.memory_space<smem>>, %arg4: memref<79xi32, #tpu.memory_space<smem>>, %arg5: memref<65xi32, #tpu.memory_space<smem>>) -> (i32, i32, i32) {
    %get3A = arith.index_cast %arg0 : i32 to index
    %get3A_0 = memref.load %arg3[%get3A] : memref<79xi32, #tpu.memory_space<smem>>
    %c0_i32 = arith.constant 0 : i32
    %c0_i32_1 = arith.constant 0 : i32
    return %get3A_0, %c0_i32, %arg1 : i32, i32, i32
  }
  func.func @transform_2(%arg0: i32, %arg1: i32, %arg2: memref<79xi32, #tpu.memory_space<smem>>, %arg3: memref<79xi32, #tpu.memory_space<smem>>, %arg4: memref<79xi32, #tpu.memory_space<smem>>, %arg5: memref<65xi32, #tpu.memory_space<smem>>) -> (i32, i32, i32) {
    %get3A = arith.index_cast %arg0 : i32 to index
    %get3A_0 = memref.load %arg3[%get3A] : memref<79xi32, #tpu.memory_space<smem>>
    %c0_i32 = arith.constant 0 : i32
    %c0_i32_1 = arith.constant 0 : i32
    return %get3A_0, %arg1, %c0_i32 : i32, i32, i32
  }
  func.func @transform_3(%arg0: i32, %arg1: i32, %arg2: memref<79xi32, #tpu.memory_space<smem>>, %arg3: memref<79xi32, #tpu.memory_space<smem>>, %arg4: memref<79xi32, #tpu.memory_space<smem>>, %arg5: memref<65xi32, #tpu.memory_space<smem>>) -> (i32, i32) {
    %c0_i32 = arith.constant 0 : i32
    %c0_i32_0 = arith.constant 0 : i32
    %c0_i32_1 = arith.constant 0 : i32
    return %c0_i32, %c0_i32_0 : i32, i32
  }
  func.func @transform_4(%arg0: i32, %arg1: i32, %arg2: memref<79xi32, #tpu.memory_space<smem>>, %arg3: memref<79xi32, #tpu.memory_space<smem>>, %arg4: memref<79xi32, #tpu.memory_space<smem>>, %arg5: memref<65xi32, #tpu.memory_space<smem>>) -> (i32, i32) {
    %get3A = arith.index_cast %arg0 : i32 to index
    %get3A_0 = memref.load %arg2[%get3A] : memref<79xi32, #tpu.memory_space<smem>>
    %c0_i32 = arith.constant 0 : i32
    %c0_i32_1 = arith.constant 0 : i32
    return %get3A_0, %c0_i32 : i32, i32
  }
}

</mosaic_0001>

<sc_bundles>
// kernel: kernel.10.cloned.1.call-start
scs
__scs_entry_jumppad:
0x0: {  	(pc) =	sbr.rel $0x88, $3  }
0x1: {  	(tag) =	ssettag $0x0;
	lr =	simm.s32 $0x1  }
0x2: {  	[smem:$0x3F9D] =	sst lr;
	_ =	strace $0xD0000000  }
0x3: {  	_ = 	snop  }
0x4: {  	_ = 	snop  }
0x5: {  	_ = 	snop  }
0x6: {  	_ = 	snop  }
0x7: {  	_ = 	snop  }
__scs_overlays_trampoline_lowered:
0x8: {  	[smem:$0x3FAC] =	sst s0  }
0x9: {  	[smem:$0x3FAD] =	sst s1  }
0xa: {  	[smem:$0x3FAE] =	sst s2  }
0xb: {  	[smem:$0x3FAF] =	sst s3  }
0xc: {  	[smem:$0x3FB0] =	sst s4  }
0xd: {  	[smem:$0x3FB1] =	sst s5  }
0xe: {  	[smem:$0x3FB2] =	sst s6  }
0xf: {  	[smem:$0x3FB3] =	sst s7  }
0x10: {  	[smem:$0x3FB4] =	sst s8  }
0x11: {  	[smem:$0x3FB5] =	sst s9;
	s0 =	simm.s32 @!p0 $0x0  }
0x12: {  	s1 =	sld [smem:$0x3F9B];
	s0 =	simm.s32 @p0 $0x1  }
0x13: {  	[smem:$0x3FB6] =	sst s0;
	s0 =	simm.s32 @!p1 $0x0  }
0x14: {  	s2 =	sld [smem:$0x3F9A];
	s0 =	simm.s32 @p1 $0x1  }
0x15: {  	[smem:$0x3FB7] =	sst s0;
	s0 =	simm.s32 @!p2 $0x0  }
0x16: {  	s3 =	sld [smem:$0x3FDB];
	s0 =	simm.s32 @p2 $0x1  }
0x17: {  	s4 =	simm.s32 $0x1BF5;
	[smem:$0x3FB9] =	sst s0  }
0x18: {  	s0 =	sld [smem:$0x3F9C];
	_ =	swait.ge [sflag:s4], $0x0  }
0x19: {  	s7 =	sld [smem:$0x3F9D]  }
0x1a: {  	s8 =	sadd.s32 $0xFFFFE003, lr  }
0x1b: {  	s9 =	sadd.s32 $0xFFFFFEF7, lr;
	s5 =	simm.s32 $0xFFFFFFFF;
	p2 =	slt.u32 s8, $0xFFFFF086  }
0x1c: {  	p1 =	slt.u32 s9, $0xF7A;
	s5 =	simm.s32 @!p2 $0x0  }
0x1d: {  	s5 =	simm.s32 @p1 $0x1;
	p0 =	seq.s32 s7, s2  }
0x1e: {  	s7 =	smul.u32 @!p0 $0xF7A, s2;
	p2 =	seq.s32 @!p0 s5, $0x0  }
0x1f: {  	s9 =	smul.u32 $0xF7A, s1;
	s8 =	simm.s32 @!p0 $0x1BF5;
	p2 =	por !p2, p0  }
0x20: {  	[sflag:s8] =	ssyncset.s32 @!p0 $0xFFFFF086;
	s6 =	sadd.s32 @!p0 s3, s7;
	s7 =	simm.s32 @!p0 $0x108  }
0x21: {  	s3 =	sadd.s32 s3, s9;
	s6 =	sadd.s32 @!p0 $0x88, s6;
	s7 =	simm.s32 @p2 $0x1082  }
0x22: {  	[simem:s7], [sflag:s8] =	dma.local @!p0 [hbm:s6], $0xF7A  }
0x23: {  	s9 =	sor.u32 $0xD0000000, s2;
	s6 =	simm.s32 $0x108;
	_ =	swait.ge @!p0 [sflag:s8], $0x0  }
0x24: {  	s3 =	sadd.s32 $0x88, s3;
	s6 =	simm.s32 @!p1 $0x1082;
	[sflag:s4] =	ssyncset.s32 $0xFFFFF086  }
0x25: {  	[simem:s6], [sflag:s4] =	dma.local [hbm:s3], $0xF7A  }
0x26: {  	[smem:$0x3F9D] =	sst s1;
	(tag) =	ssettag s2;
	_ =	strace s9  }
0x27: {  	s1 =	sld [smem:$0x3FAD]  }
0x28: {  	s2 =	sld [smem:$0x3FAE]  }
0x29: {  	s4 =	sld [smem:$0x3FB0]  }
0x2a: {  	p0 =	seq.s32 s5, $0x0;
	s5 =	sld [smem:$0x3FB1]  }
0x2b: {  	s6 =	sld [smem:$0x3FB2]  }
0x2c: {  	s7 =	sld [smem:$0x3FB3]  }
0x2d: {  	s3 =	simm.s32 $0x108;
	s8 =	sld [smem:$0x3FB4]  }
0x2e: {  	s3 =	simm.s32 @!p0 $0x1082;
	s9 =	sld [smem:$0x3FB5]  }
0x2f: {  	lr =	sadd.s32 s0, s3;
	s0 =	sld [smem:$0x3FAC]  }
0x30: {  	s3 =	sld [smem:$0x3FAF]  }
0x31: {  	[smem:$0x3FB8] =	sst s10  }
0x32: {  	s10 =	sld [smem:$0x3FB6];
	_ =	sdelay $0x3  }
0x33: {  	p0 =	seq.s32 s10, $0x1;
	s10 =	sld [smem:$0x3FB8];
	_ =	sdelay $0x3  }
0x34: {  	[smem:$0x3FB8] =	sst s10  }
0x35: {  	s10 =	sld [smem:$0x3FB7];
	_ =	sdelay $0x3  }
0x36: {  	p1 =	seq.s32 s10, $0x1;
	s10 =	sld [smem:$0x3FB8];
	_ =	sdelay $0x3  }
0x37: {  	[smem:$0x3FB8] =	sst s10  }
0x38: {  	s10 =	sld [smem:$0x3FB9]  }
0x39: {  	_ = 	snop;
	(pc) =	sbr.ind lr, $3  }
0x3a: {  	_ = 	snop  }
0x3b: {  	_ = 	snop  }
0x3c: {  	p2 =	seq.s32 s10, $0x1;
	s10 =	sld [smem:$0x3FB8]  }
0x3d: {  	_ =	shalt  }
0x3e: {  	_ =	shalt  }
0x3f: {  	_ =	shalt  }
0x40: {  	_ =	shalt  }
0x41: {  	_ =	shalt  }
0x42: {  	_ =	shalt  }
0x43: {  	_ =	shalt  }
0x44: {  	_ =	shalt  }
0x45: {  	_ =	shalt  }
0x46: {  	_ =	shalt  }
0x47: {  	_ =	shalt  }
0x48: {  	_ =	shalt  }
0x49: {  	_ =	shalt  }
0x4a: {  	_ =	shalt  }
0x4b: {  	_ =	shalt  }
0x4c: {  	_ =	shalt  }
0x4d: {  	_ =	shalt  }
0x4e: {  	_ =	shalt  }
0x4f: {  	_ =	shalt  }
0x50: {  	_ =	shalt  }
0x51: {  	_ =	shalt  }
0x52: {  	_ =	shalt  }
0x53: {  	_ =	shalt  }
0x54: {  	_ =	shalt  }
0x55: {  	_ =	shalt  }
0x56: {  	_ =	shalt  }
0x57: {  	_ =	shalt  }
0x58: {  	_ =	shalt  }
0x59: {  	_ =	shalt  }
0x5a: {  	_ =	shalt  }
0x5b: {  	_ =	shalt  }
0x5c: {  	_ =	shalt  }
0x5d: {  	_ =	shalt  }
0x5e: {  	_ =	shalt  }
0x5f: {  	_ =	shalt  }
0x60: {  	_ =	shalt  }
0x61: {  	_ =	shalt  }
0x62: {  	_ =	shalt  }
0x63: {  	_ =	shalt  }
0x64: {  	_ =	shalt  }
0x65: {  	_ =	shalt  }
0x66: {  	_ =	shalt  }
0x67: {  	_ =	shalt  }
0x68: {  	_ =	shalt  }
0x69: {  	_ =	shalt  }
0x6a: {  	_ =	shalt  }
0x6b: {  	_ =	shalt  }
0x6c: {  	_ =	shalt  }
0x6d: {  	_ =	shalt  }
0x6e: {  	_ =	shalt  }
0x6f: {  	_ =	shalt  }
0x70: {  	_ =	shalt  }
0x71: {  	_ =	shalt  }
0x72: {  	_ =	shalt  }
0x73: {  	_ =	shalt  }
0x74: {  	_ =	shalt  }
0x75: {  	_ =	shalt  }
0x76: {  	_ =	shalt  }
0x77: {  	_ =	shalt  }
0x78: {  	_ =	shalt  }
0x79: {  	_ =	shalt  }
0x7a: {  	_ =	shalt  }
0x7b: {  	_ =	shalt  }
0x7c: {  	_ =	shalt  }
0x7d: {  	_ =	shalt  }
0x7e: {  	_ =	shalt  }
0x7f: {  	_ =	shalt  }
0x80: {  	_ =	shalt  }
0x81: {  	_ =	shalt  }
0x82: {  	_ =	shalt  }
0x83: {  	_ =	shalt  }
0x84: {  	_ =	shalt  }
0x85: {  	_ =	shalt  }
0x86: {  	_ =	shalt  }
0x87: {  	_ =	shalt  }
.Lfunc_end0:
.L_simem_size_0:
called_computation.1_lowered:
.L_overlay_start_0:
0x88: {  	s2 =	sld [smem:$0x3FD9]  }
0x89: {  	s3 =	sld [smem:$0x3FFE];
	_ =	sdelay $0x1  }
0x8a: {  	s1 =	srdreg.scid  }
0x8b: {  	s0 =	sand.u32 $0x1, s1  }
0x8c: {  	s17 =	sshll.u32 s0, $0xA;
	s2 =	sadd.s32 s3, s2  }
0x8d: {  	s2 =	sadd.s32 s2, s17  }
0x8e: {  	[smem:$0x3FC4] =	sst s2  }
0x8f: {  	_ = 	snop  }
0x90: {  	s2 =	sld [smem:$0x3FD0];
	(tm) =	ssettm $0x1  }
0x91: {  	s18 =	sld [smem:$0x3FFB];
	_ =	sdelay $0x3  }
0x92: {  	_ =	strace s18  }
0x93: {  	s3 =	sld [smem:$0x3FFC];
	_ =	sdelay $0x3  }
0x94: {  	_ =	strace s3  }
0x95: {  	s3 =	sld [smem:$0x3FFD];
	_ =	sdelay $0x3  }
0x96: {  	_ =	strace s3  }
0x97: {  	_ =	strace $0x8FFFFFFF  }
0x98: {  	s19 =	sld [smem:$0x3FDB];
	_ =	sdelay $0x1  }
0x99: {  	s4 =	simm.s32 $_scs_section_size  }
0x9a: {  	s5 =	simm.s32 $_size__tile_overlayer_lowered;
	s6 =	simm.s32 $_tile_overlayer_lowered  }
0x9b: {  	s22 =	simm.s32 $0x1BFF;
	s21 =	sshll.u32 s6, $0x1;
	s3 =	sadd.s32 s4, s19  }
0x9c: {  	s7 =	simm.s32 $0x0;
	s20 =	sshll.u32 s5, $0x1;
	s5 =	sadd.s32 s21, s3  }
0x9d: {  	[timem:s7], [sflag:s22] =	dma.local [hbm:s5], s20  }
0x9e: {  	_ =	swait.ge [sflag:s22], s20  }
0x9f: {  	s4 =	ssub.s32 $0x0, s20;
	[sflag:s22] =	ssyncset.done $0x0  }
0xa0: {  	[sflag:s22] =	ssyncadd.s32 s4;
	_ =	sdelay $0x1  }
0xa1: {  	s23 =	simm.s32 $0x1B8B  }
0xa2: {  	_ =	swait.ge [sflag:s23], $0x1  }
0xa3: {  	[sflag:s23] =	ssyncset.done $0x0  }
0xa4: {  	s25 =	simm.s32 $0x1B8E;
	s24 =	sld [smem:$0x3FFE];
	[sflag:s23] =	ssyncadd.s32 $0xFFFFFFFF  }
0xa5: {  	s26 =	simm.s32 $execute0_lowered;
	[smem:$0x3FD2] =	sst s25  }
0xa6: {  	s5 =	sshll.u32 s26, $0x1;
	_ =	strace $0x80000049;
	[dreg:$0x1] =	wrdreg $0xFFFFFFFF  }
0xa7: {  	s28 =	simm.s32 $_size_execute0_lowered;
	s3 =	sadd.s32 s3, s5;
	[dreg:$0x0] =	wrdreg $0x0  }
0xa8: {  	s5 =	sshll.u32 s28, $0x1;
	[dreg:$0x2] =	wrdreg s3  }
0xa9: {  	[dreg:$0x3] =	wrdreg s5  }
0xaa: {  	[dreg:$0x4] =	wrdreg $0xC0  }
0xab: {  	_ =	task [dreg:s7], $0x5FFFF  }
0xac: {  	[dreg:$0x1] =	wrdreg $0xFFFFFFFF  }
0xad: {  	[dreg:$0x0] =	wrdreg $0x60  }
0xae: {  	[dreg:$0x2] =	wrdreg s24  }
0xaf: {  	[dreg:$0x3] =	wrdreg s2  }
0xb0: {  	[dreg:$0x4] =	wrdreg $0x9  }
0xb1: {  	_ =	task.clear_ibuf [dreg:s7], $0x5FFFF;
	_ =	strace $0x90000049  }
0xb2: {  	s29 =	simm.s32 $0x9;
	_ =	strace $0x8000004B  }
0xb3: {  	_ =	swait.ge [sflag:s29], $0x1  }
0xb4: {  	[sflag:s29] =	ssyncadd.s32 $0xFFFFFFFF  }
0xb5: {  	_ =	strace $0x9000004B  }
0xb6: {  	_ =	sfence  }
0xb7: {  	s30 =	sld [smem:$0x0];
	_ =	sdelay $0x2  }
0xb8: {  	s31 =	sshll.u32 s1, $0xD;
	s1 =	sshrl.u32 s1, $0x2  }
0xb9: {  	s3 =	sand.u32 $0x4000, s31;
	s1 =	sadd.s32 s1, s30  }
0xba: {  	s0 =	sor.u32 s3, s0;
	s1 =	sshll.u32 s1, $0x11  }
0xbb: {  	s0 =	sor.u32 s1, s0  }
0xbc: {  	s0 =	sadd.s32 $0x8F2B, s0  }
0xbd: {  	[sflag:s0] =	ssyncadd.remote.s32 $0x1  }
0xbe: {  	_ =	sfence.sel $0xFFFF  }
0xbf: {  	[dreg:$0x0] =	wrdreg $0xFFFFFFFF;
	(pc) =	sbr.abs _section_cstart, $3  }
0xc0: {  	[dreg:$0x1] =	wrdreg $0xFFFFFFFF  }
0xc1: {  	_ =	task.clear_ibuf [dreg:s7], $0x2FFFF;
	_ =	strace $0x9FFFFFFF  }
0xc2: {  	(tm) =	ssettm $0x7FFFFFFF  }
0xc3: {  	_ =	shalt  }
tec
execute0_lowered:
.L_overlay_start_1:
0x0: {  	(tag) =	ssettag $0x1  }
0x1: {  	s0 =	rddreg [dreg:$0x0]  }
0x2: {  	s5 =	rddreg [dreg:$0x1]  }
0x3: {  	s2 =	srdreg.scid;
	s1 =	stileid.u32;
	s26 =	simm.s32 $0x880  }
0x4: {  	s9 =	simm.s32 $0x1080;
	s10 =	simm.s32 $0x1880;
	s11 =	simm.s32 $0x2080  }
0x5: {  	s12 =	simm.s32 $0x2880;
	s13 =	simm.s32 $0x3080;
	s14 =	simm.s32 $0x3880  }
0x6: {  	s15 =	simm.s32 $0x4080;
	s16 =	simm.s32 $0x4880;
	s17 =	simm.s32 $0x5080  }
0x7: {  	s18 =	simm.s32 $0x5880;
	s19 =	simm.s32 $0x6080;
	s20 =	simm.s32 $0x6880  }
0x8: {  	s21 =	simm.s32 $0x7080;
	s22 =	simm.s32 $0x7880;
	s23 =	simm.s32 $0x8080  }
0x9: {  	s28 =	simm.s32 $0xA080;
	s29 =	simm.s32 $0xA880;
	s30 =	simm.s32 $0xB080  }
0xa: {  	s31 =	simm.s32 $0xB880;
	s3 =	sand.u32 $0x1, s2;
	s2 =	simm.s32 $0x0  }
0xb: {  	s4 =	sshll.u32 s1, $0x4;
	s6 =	sshll.u32 s3, $0x3;
	[smem:$0x7FF] =	sst s2  }
0xc: {  	s7 =	ssub.s32 $0x2, s3;
	s3 =	sadd.s32 $0x200, s0;
	s4 =	sor.u32 s6, s4  }
0xd: {  	_ =	strace $0x8000004A;
	s24 =	sshrl.u32 s7, $0x1;
	[dreg:$0x5] =	wrdreg s26  }
0xe: {  	s26 =	simm.s32 $0x9880;
	s8 =	smul.u32 $0x300, s4;
	s6 =	ssub.s32 s7, s24  }
0xf: {  	s4 =	sadd.s32 s0, s4;
	s7 =	simm.s32 $0x2;
	s24 =	simm.s32 $0x8880  }
0x10: {  	v2 =	vlaneseq.u32;
	[dreg:$0x3] =	wrdreg s4;
	s4 =	sadd.s32 $0x300, s0;
	s6 =	smax.u32 s6, $0x1  }
0x11: {  	vm0 =	vmmov $0xffff;
	v1 =	vshrl.u32 v2, $0x3;
	s25 =	sadd.s32 s5, s8;
	s5 =	sadd.s32 $0x400, s0;
	s8 =	simm.s32 $0x80  }
0x12: {  	v0 =	vand.u32 $0x7, v2;
	v2 =	vor.u32 $0x8, v2;
	v1 =	vmul.u32 $0x8, v1;
	s0 =	simm.s32 $0x1;
	[dreg:$0x4] =	wrdreg s25;
	s25 =	simm.s32 $0x9080  }
.LBB2_1:
0x13: {  	s1 =	rddreg [dreg:$0x3]  }
0x14: {  	[tilespmem:s2], [sflag:$0x2] =	stream.linear.gather [hbm4b:s1+s2], $0x40, $0x38;
	[tilespmem:$0xC080] =	vst v63  }
0x15: {  	_ =	swait.ge [sflag:s7], $0x40  }
0x16: {  	[sflag:s7] =	ssyncset.done $0x0  }
0x17: {  	[sflag:s7] =	ssyncadd.s32 $0xFFFFFFC0  }
0x18: {  	v3 =	vld [tilespmem:$0x0];
	_ =	sdelay $0x4  }
0x19: {  	v4 =	vshrl.u32 v3, $0x3  }
0x1a: {  	v4 =	vmul.u32 $0x30, v4  }
0x1b: {  	v3 =	vand.u32 $0x7, v3  }
0x1c: {  	v3 =	vor.u32 v3, v4  }
0x1d: {  	v4 =	vperm.xlane v3, v0;
	_ =	sdelay $0x1  }
0x1e: {  	v4 =	vadd.s32 v1, v4;
	_ =	sdelay $0x3  }
0x1f: {  	v3 =	vperm.xlane v3, v2  }
0x20: {  	[tilespmem:s8], [sflag:$0x1] =	stream.indirect_vreg.gather [hbm4b:s3+s2], $0x80, v4, vm0, $0xb8;
	[tilespmem:$0xC080] =	vst v63  }
0x21: {  	s1 =	rddreg [dreg:$0x5];
	v3 =	vadd.s32 v1, v3  }
0x22: {  	[tilespmem:s1], [sflag:$0x1] =	stream.indirect_vreg.gather [hbm4b:s4+s2], $0x80, v4, vm0, $0xb8;
	[tilespmem:$0xC080] =	vst v63  }
0x23: {  	_ = 	snop  }
0x24: {  	[tilespmem:s9], [sflag:$0x1] =	stream.indirect_vreg.gather [hbm4b:s5+s2], $0x80, v4, vm0, $0xb8;
	[tilespmem:$0xC080] =	vst v63  }
0x25: {  	_ = 	snop  }
0x26: {  	[tilespmem:s10], [sflag:$0x1] =	stream.indirect_vreg.gather [hbm4b:s3+s2], $0x80, v3, vm0, $0xb8;
	[tilespmem:$0xC080] =	vst v63  }
0x27: {  	_ = 	snop  }
0x28: {  	[tilespmem:s11], [sflag:$0x1] =	stream.indirect_vreg.gather [hbm4b:s4+s2], $0x80, v3, vm0, $0xb8;
	[tilespmem:$0xC080] =	vst v63  }
0x29: {  	_ = 	snop  }
0x2a: {  	[tilespmem:s12], [sflag:$0x1] =	stream.indirect_vreg.gather [hbm4b:s5+s2], $0x80, v3, vm0, $0xb8;
	[tilespmem:$0xC080] =	vst v63  }
0x2b: {  	v3 =	vld [tilespmem:$0x10];
	_ =	sdelay $0x4  }
0x2c: {  	v61 =	vshrl.u32 v3, $0x3  }
0x2d: {  	v4 =	vmul.u32 $0x30, v61  }
0x2e: {  	v3 =	vand.u32 $0x7, v3  }
0x2f: {  	v3 =	vor.u32 v3, v4  }
0x30: {  	v4 =	vperm.xlane v3, v0;
	_ =	sdelay $0x1  }
0x31: {  	v4 =	vadd.s32 v1, v4;
	_ =	sdelay $0x3  }
0x32: {  	v3 =	vperm.xlane v3, v2  }
0x33: {  	[tilespmem:s13], [sflag:$0x1] =	stream.indirect_vreg.gather [hbm4b:s3+s2], $0x80, v4, vm0, $0xb8;
	[tilespmem:$0xC080] =	vst v63  }
0x34: {  	v3 =	vadd.s32 v1, v3  }
0x35: {  	[tilespmem:s14], [sflag:$0x1] =	stream.indirect_vreg.gather [hbm4b:s4+s2], $0x80, v4, vm0, $0xb8;
	[tilespmem:$0xC080] =	vst v63  }
0x36: {  	_ = 	snop  }
0x37: {  	[tilespmem:s15], [sflag:$0x1] =	stream.indirect_vreg.gather [hbm4b:s5+s2], $0x80, v4, vm0, $0xb8;
	[tilespmem:$0xC080] =	vst v63  }
0x38: {  	_ = 	snop  }
0x39: {  	[tilespmem:s16], [sflag:$0x1] =	stream.indirect_vreg.gather [hbm4b:s3+s2], $0x80, v3, vm0, $0xb8;
	[tilespmem:$0xC080] =	vst v63  }
0x3a: {  	_ = 	snop  }
0x3b: {  	[tilespmem:s17], [sflag:$0x1] =	stream.indirect_vreg.gather [hbm4b:s4+s2], $0x80, v3, vm0, $0xb8;
	[tilespmem:$0xC080] =	vst v63  }
0x3c: {  	_ = 	snop  }
0x3d: {  	[tilespmem:s18], [sflag:$0x1] =	stream.indirect_vreg.gather [hbm4b:s5+s2], $0x80, v3, vm0, $0xb8;
	[tilespmem:$0xC080] =	vst v63  }
0x3e: {  	v3 =	vld [tilespmem:$0x20];
	_ =	sdelay $0x4  }
0x3f: {  	v62 =	vshrl.u32 v3, $0x3  }
0x40: {  	v4 =	vmul.u32 $0x30, v62  }
0x41: {  	v3 =	vand.u32 $0x7, v3  }
0x42: {  	v3 =	vor.u32 v3, v4  }
0x43: {  	v4 =	vperm.xlane v3, v0;
	_ =	sdelay $0x1  }
0x44: {  	v4 =	vadd.s32 v1, v4;
	_ =	sdelay $0x3  }
0x45: {  	v3 =	vperm.xlane v3, v2  }
0x46: {  	[tilespmem:s19], [sflag:$0x1] =	stream.indirect_vreg.gather [hbm4b:s3+s2], $0x80, v4, vm0, $0xb8;
	[tilespmem:$0xC080] =	vst v63  }
0x47: {  	v3 =	vadd.s32 v1, v3  }
0x48: {  	[tilespmem:s20], [sflag:$0x1] =	stream.indirect_vreg.gather [hbm4b:s4+s2], $0x80, v4, vm0, $0xb8;
	[tilespmem:$0xC080] =	vst v63  }
0x49: {  	_ = 	snop  }
0x4a: {  	[tilespmem:s21], [sflag:$0x1] =	stream.indirect_vreg.gather [hbm4b:s5+s2], $0x80, v4, vm0, $0xb8;
	[tilespmem:$0xC080] =	vst v63  }
0x4b: {  	_ = 	snop  }
0x4c: {  	[tilespmem:s22], [sflag:$0x1] =	stream.indirect_vreg.gather [hbm4b:s3+s2], $0x80, v3, vm0, $0xb8;
	[tilespmem:$0xC080] =	vst v63  }
0x4d: {  	_ = 	snop  }
0x4e: {  	[tilespmem:s23], [sflag:$0x1] =	stream.indirect_vreg.gather [hbm4b:s4+s2], $0x80, v3, vm0, $0xb8;
	[tilespmem:$0xC080] =	vst v63  }
0x4f: {  	_ = 	snop  }
0x50: {  	[tilespmem:s24], [sflag:$0x1] =	stream.indirect_vreg.gather [hbm4b:s5+s2], $0x80, v3, vm0, $0xb8;
	[tilespmem:$0xC080] =	vst v63  }
0x51: {  	v3 =	vld [tilespmem:$0x30];
	_ =	sdelay $0x4  }
0x52: {  	v63 =	vshrl.u32 v3, $0x3  }
0x53: {  	v4 =	vmul.u32 $0x30, v63  }
0x54: {  	v3 =	vand.u32 $0x7, v3  }
0x55: {  	v3 =	vor.u32 v3, v4  }
0x56: {  	v4 =	vperm.xlane v3, v0;
	_ =	sdelay $0x1  }
0x57: {  	v4 =	vadd.s32 v1, v4;
	_ =	sdelay $0x3  }
0x58: {  	v3 =	vperm.xlane v3, v2  }
0x59: {  	[tilespmem:s25], [sflag:$0x1] =	stream.indirect_vreg.gather [hbm4b:s3+s2], $0x80, v4, vm0, $0xb8;
	[tilespmem:$0xC080] =	vst v63  }
0x5a: {  	v3 =	vadd.s32 v1, v3  }
0x5b: {  	[tilespmem:s26], [sflag:$0x1] =	stream.indirect_vreg.gather [hbm4b:s4+s2], $0x80, v4, vm0, $0xb8;
	[tilespmem:$0xC080] =	vst v63  }
0x5c: {  	_ = 	snop  }
0x5d: {  	[tilespmem:s28], [sflag:$0x1] =	stream.indirect_vreg.gather [hbm4b:s5+s2], $0x80, v4, vm0, $0xb8;
	[tilespmem:$0xC080] =	vst v63  }
0x5e: {  	_ = 	snop  }
0x5f: {  	[tilespmem:s29], [sflag:$0x1] =	stream.indirect_vreg.gather [hbm4b:s3+s2], $0x80, v3, vm0, $0xb8;
	[tilespmem:$0xC080] =	vst v63  }
0x60: {  	_ = 	snop  }
0x61: {  	[tilespmem:s30], [sflag:$0x1] =	stream.indirect_vreg.gather [hbm4b:s4+s2], $0x80, v3, vm0, $0xb8;
	[tilespmem:$0xC080] =	vst v63  }
0x62: {  	_ = 	snop  }
0x63: {  	[tilespmem:s31], [sflag:$0x1] =	stream.indirect_vreg.gather [hbm4b:s5+s2], $0x80, v3, vm0, $0xb8;
	[tilespmem:$0xC080] =	vst v63  }
0x64: {  	_ =	swait.ge [sflag:s0], $0xC000  }
0x65: {  	p0 =	sne.s32 s6, $0x1;
	[sflag:s0] =	ssyncset.done $0x0  }
.Ltmp0:
0x66: {  	s1 =	rddreg [dreg:$0x4];
	[sflag:s0] =	ssyncadd.s32 $0xFFFF4000;
	(pc) =	sbr.rel @p0 .LBB2_1-.Ltmp0, $4  }
0x67: {  	[hbm4b:s1+s2] =	stream.linear.scatter [tilespmem:s8], [sflag:$0x2], $0xC000, $0x38;
	[tilespmem:$0xC080] =	vst v63  }
0x68: {  	_ =	swait.ge [sflag:s7], $0xC000  }
0x69: {  	[sflag:s7] =	ssyncset.done $0x0  }
0x6a: {  	s6 =	sadd.s32 $0xFFFFFFFF, s6;
	[sflag:s7] =	ssyncadd.s32 $0xFFFF4000  }
0x6b: {  	_ =	sfence.sel $0x180000  }
0x6c: {  	[bflag:$0x0] =	sbarrier.arrive $0xFFFF  }
0x6d: {  	_ =	strace $0x9000004A  }
0x6e: {  	s0 =	stileid.u32;
	[bflag:$0x2] =	sbarrier.arrive $0xFFFF  }
0x6f: {  	p0 =	sne.s32 s0, $0x0;
	s0 =	rddreg [dreg:$0x2]  }
0x70: {  	s0 =	sadd.s32 @!p0 $0x100000, s0  }
0x71: {  	[sflag:s0] =	ssyncadd.tile.s32 @!p0 $0x1;
	_ =	shalt  }
.Lfunc_end2:
_tile_overlayer_lowered:
.L_overlay_start_2:
0x72: {  	(tag) =	ssettag $0x2  }
0x73: {  	s0 =	rddreg [dreg:$0x0];
	s2 =	stileid.u32  }
0x74: {  	s1 =	rddreg [dreg:$0x1];
	p0 =	sne.s32 s2, $0x0  }
0x75: {  	s3 =	rddreg [dreg:$0x2];
	[bflag:$0x3] =	sbarrier.arrive $0xFFFF;
	s2 =	simm.s32 @!p0 $0x1C02  }
0x76: {  	[timem:s3], [sflag:s2] =	dma.local @!p0 [hbm:s0], s1  }
0x77: {  	s0 =	simm.s32 @!p0 $0x2  }
0x78: {  	_ =	swait.ge @!p0 [sflag:s0], s1  }
0x79: {  	s1 =	ssub.s32 @!p0 $0x0, s1;
	[sflag:s0] =	ssyncset.done @!p0 $0x0  }
0x7a: {  	[sflag:s0] =	ssyncadd.s32 @!p0 s1  }
0x7b: {  	[bflag:$0x3] =	sbarrier.arrive $0xFFFF  }
0x7c: {  	_ =	shalt  }

// kernel: kernel.7.cloned.1.call-start
scs
__scs_entry_jumppad:
0x0: {  	(pc) =	sbr.rel $0x88, $3  }
0x1: {  	(tag) =	ssettag $0x0;
	lr =	simm.s32 $0x1  }
0x2: {  	[smem:$0x3F9D] =	sst lr;
	_ =	strace $0xD0000000  }
0x3: {  	_ = 	snop  }
0x4: {  	_ = 	snop  }
0x5: {  	_ = 	snop  }
0x6: {  	_ = 	snop  }
0x7: {  	_ = 	snop  }
__scs_overlays_trampoline_lowered:
0x8: {  	[smem:$0x3FAC] =	sst s0  }
0x9: {  	[smem:$0x3FAD] =	sst s1  }
0xa: {  	[smem:$0x3FAE] =	sst s2  }
0xb: {  	[smem:$0x3FAF] =	sst s3  }
0xc: {  	[smem:$0x3FB0] =	sst s4  }
0xd: {  	[smem:$0x3FB1] =	sst s5  }
0xe: {  	[smem:$0x3FB2] =	sst s6  }
0xf: {  	[smem:$0x3FB3] =	sst s7  }
0x10: {  	[smem:$0x3FB4] =	sst s8  }
0x11: {  	[smem:$0x3FB5] =	sst s9;
	s0 =	simm.s32 @!p0 $0x0  }
0x12: {  	s1 =	sld [smem:$0x3F9B];
	s0 =	simm.s32 @p0 $0x1  }
0x13: {  	[smem:$0x3FB6] =	sst s0;
	s0 =	simm.s32 @!p1 $0x0  }
0x14: {  	s2 =	sld [smem:$0x3F9A];
	s0 =	simm.s32 @p1 $0x1  }
0x15: {  	[smem:$0x3FB7] =	sst s0;
	s0 =	simm.s32 @!p2 $0x0  }
0x16: {  	s3 =	sld [smem:$0x3FDB];
	s0 =	simm.s32 @p2 $0x1  }
0x17: {  	s4 =	simm.s32 $0x1BF5;
	[smem:$0x3FB9] =	sst s0  }
0x18: {  	s0 =	sld [smem:$0x3F9C];
	_ =	swait.ge [sflag:s4], $0x0  }
0x19: {  	s7 =	sld [smem:$0x3F9D]  }
0x1a: {  	s8 =	sadd.s32 $0xFFFFE003, lr  }
0x1b: {  	s9 =	sadd.s32 $0xFFFFFEF7, lr;
	s5 =	simm.s32 $0xFFFFFFFF;
	p2 =	slt.u32 s8, $0xFFFFF086  }
0x1c: {  	p1 =	slt.u32 s9, $0xF7A;
	s5 =	simm.s32 @!p2 $0x0  }
0x1d: {  	s5 =	simm.s32 @p1 $0x1;
	p0 =	seq.s32 s7, s2  }
0x1e: {  	s7 =	smul.u32 @!p0 $0xF7A, s2;
	p2 =	seq.s32 @!p0 s5, $0x0  }
0x1f: {  	s9 =	smul.u32 $0xF7A, s1;
	s8 =	simm.s32 @!p0 $0x1BF5;
	p2 =	por !p2, p0  }
0x20: {  	[sflag:s8] =	ssyncset.s32 @!p0 $0xFFFFF086;
	s6 =	sadd.s32 @!p0 s3, s7;
	s7 =	simm.s32 @!p0 $0x108  }
0x21: {  	s3 =	sadd.s32 s3, s9;
	s6 =	sadd.s32 @!p0 $0x88, s6;
	s7 =	simm.s32 @p2 $0x1082  }
0x22: {  	[simem:s7], [sflag:s8] =	dma.local @!p0 [hbm:s6], $0xF7A  }
0x23: {  	s9 =	sor.u32 $0xD0000000, s2;
	s6 =	simm.s32 $0x108;
	_ =	swait.ge @!p0 [sflag:s8], $0x0  }
0x24: {  	s3 =	sadd.s32 $0x88, s3;
	s6 =	simm.s32 @!p1 $0x1082;
	[sflag:s4] =	ssyncset.s32 $0xFFFFF086  }
0x25: {  	[simem:s6], [sflag:s4] =	dma.local [hbm:s3], $0xF7A  }
0x26: {  	[smem:$0x3F9D] =	sst s1;
	(tag) =	ssettag s2;
	_ =	strace s9  }
0x27: {  	s1 =	sld [smem:$0x3FAD]  }
0x28: {  	s2 =	sld [smem:$0x3FAE]  }
0x29: {  	s4 =	sld [smem:$0x3FB0]  }
0x2a: {  	p0 =	seq.s32 s5, $0x0;
	s5 =	sld [smem:$0x3FB1]  }
0x2b: {  	s6 =	sld [smem:$0x3FB2]  }
0x2c: {  	s7 =	sld [smem:$0x3FB3]  }
0x2d: {  	s3 =	simm.s32 $0x108;
	s8 =	sld [smem:$0x3FB4]  }
0x2e: {  	s3 =	simm.s32 @!p0 $0x1082;
	s9 =	sld [smem:$0x3FB5]  }
0x2f: {  	lr =	sadd.s32 s0, s3;
	s0 =	sld [smem:$0x3FAC]  }
0x30: {  	s3 =	sld [smem:$0x3FAF]  }
0x31: {  	[smem:$0x3FB8] =	sst s10  }
0x32: {  	s10 =	sld [smem:$0x3FB6];
	_ =	sdelay $0x3  }
0x33: {  	p0 =	seq.s32 s10, $0x1;
	s10 =	sld [smem:$0x3FB8];
	_ =	sdelay $0x3  }
0x34: {  	[smem:$0x3FB8] =	sst s10  }
0x35: {  	s10 =	sld [smem:$0x3FB7];
	_ =	sdelay $0x3  }
0x36: {  	p1 =	seq.s32 s10, $0x1;
	s10 =	sld [smem:$0x3FB8];
	_ =	sdelay $0x3  }
0x37: {  	[smem:$0x3FB8] =	sst s10  }
0x38: {  	s10 =	sld [smem:$0x3FB9]  }
0x39: {  	_ = 	snop;
	(pc) =	sbr.ind lr, $3  }
0x3a: {  	_ = 	snop  }
0x3b: {  	_ = 	snop  }
0x3c: {  	p2 =	seq.s32 s10, $0x1;
	s10 =	sld [smem:$0x3FB8]  }
0x3d: {  	_ =	shalt  }
0x3e: {  	_ =	shalt  }
0x3f: {  	_ =	shalt  }
0x40: {  	_ =	shalt  }
0x41: {  	_ =	shalt  }
0x42: {  	_ =	shalt  }
0x43: {  	_ =	shalt  }
0x44: {  	_ =	shalt  }
0x45: {  	_ =	shalt  }
0x46: {  	_ =	shalt  }
0x47: {  	_ =	shalt  }
0x48: {  	_ =	shalt  }
0x49: {  	_ =	shalt  }
0x4a: {  	_ =	shalt  }
0x4b: {  	_ =	shalt  }
0x4c: {  	_ =	shalt  }
0x4d: {  	_ =	shalt  }
0x4e: {  	_ =	shalt  }
0x4f: {  	_ =	shalt  }
0x50: {  	_ =	shalt  }
0x51: {  	_ =	shalt  }
0x52: {  	_ =	shalt  }
0x53: {  	_ =	shalt  }
0x54: {  	_ =	shalt  }
0x55: {  	_ =	shalt  }
0x56: {  	_ =	shalt  }
0x57: {  	_ =	shalt  }
0x58: {  	_ =	shalt  }
0x59: {  	_ =	shalt  }
0x5a: {  	_ =	shalt  }
0x5b: {  	_ =	shalt  }
0x5c: {  	_ =	shalt  }
0x5d: {  	_ =	shalt  }
0x5e: {  	_ =	shalt  }
0x5f: {  	_ =	shalt  }
0x60: {  	_ =	shalt  }
0x61: {  	_ =	shalt  }
0x62: {  	_ =	shalt  }
0x63: {  	_ =	shalt  }
0x64: {  	_ =	shalt  }
0x65: {  	_ =	shalt  }
0x66: {  	_ =	shalt  }
0x67: {  	_ =	shalt  }
0x68: {  	_ =	shalt  }
0x69: {  	_ =	shalt  }
0x6a: {  	_ =	shalt  }
0x6b: {  	_ =	shalt  }
0x6c: {  	_ =	shalt  }
0x6d: {  	_ =	shalt  }
0x6e: {  	_ =	shalt  }
0x6f: {  	_ =	shalt  }
0x70: {  	_ =	shalt  }
0x71: {  	_ =	shalt  }
0x72: {  	_ =	shalt  }
0x73: {  	_ =	shalt  }
0x74: {  	_ =	shalt  }
0x75: {  	_ =	shalt  }
0x76: {  	_ =	shalt  }
0x77: {  	_ =	shalt  }
0x78: {  	_ =	shalt  }
0x79: {  	_ =	shalt  }
0x7a: {  	_ =	shalt  }
0x7b: {  	_ =	shalt  }
0x7c: {  	_ =	shalt  }
0x7d: {  	_ =	shalt  }
0x7e: {  	_ =	shalt  }
0x7f: {  	_ =	shalt  }
0x80: {  	_ =	shalt  }
0x81: {  	_ =	shalt  }
0x82: {  	_ =	shalt  }
0x83: {  	_ =	shalt  }
0x84: {  	_ =	shalt  }
0x85: {  	_ =	shalt  }
0x86: {  	_ =	shalt  }
0x87: {  	_ =	shalt  }
.Lfunc_end0:
.L_simem_size_0:
called_computation_lowered:
.L_overlay_start_0:
0x88: {  	s2 =	sld [smem:$0x3FD9]  }
0x89: {  	s3 =	sld [smem:$0x3FFE];
	_ =	sdelay $0x1  }
0x8a: {  	s1 =	srdreg.scid  }
0x8b: {  	s0 =	sand.u32 $0x1, s1  }
0x8c: {  	s17 =	sshll.u32 s0, $0xA;
	s2 =	sadd.s32 s3, s2  }
0x8d: {  	s2 =	sadd.s32 s2, s17  }
0x8e: {  	[smem:$0x3FC4] =	sst s2  }
0x8f: {  	_ = 	snop  }
0x90: {  	s2 =	sld [smem:$0x3FC9]  }
0x91: {  	s18 =	sld [smem:$0x3FD0];
	(tm) =	ssettm $0x1  }
0x92: {  	s4 =	sld [smem:$0x3FFB];
	_ =	sdelay $0x3  }
0x93: {  	_ =	strace s4  }
0x94: {  	s4 =	sld [smem:$0x3FFC];
	_ =	sdelay $0x3  }
0x95: {  	_ =	strace s4  }
0x96: {  	s4 =	sld [smem:$0x3FFD];
	_ =	sdelay $0x3  }
0x97: {  	_ =	strace s4  }
0x98: {  	_ =	strace $0x8FFFFFFF  }
0x99: {  	s19 =	sld [smem:$0x3FDB];
	_ =	sdelay $0x1  }
0x9a: {  	s5 =	simm.s32 $_scs_section_size  }
0x9b: {  	s6 =	simm.s32 $_size__tile_overlayer_lowered;
	s7 =	simm.s32 $_tile_overlayer_lowered  }
0x9c: {  	s22 =	simm.s32 $0x1BFF;
	s21 =	sshll.u32 s7, $0x1;
	s4 =	sadd.s32 s5, s19  }
0x9d: {  	s8 =	simm.s32 $0x0;
	s20 =	sshll.u32 s6, $0x1;
	s6 =	sadd.s32 s21, s4  }
0x9e: {  	[timem:s8], [sflag:s22] =	dma.local [hbm:s6], s20  }
0x9f: {  	_ =	swait.ge [sflag:s22], s20  }
0xa0: {  	s5 =	ssub.s32 $0x0, s20;
	[sflag:s22] =	ssyncset.done $0x0  }
0xa1: {  	[sflag:s22] =	ssyncadd.s32 s5;
	_ =	sdelay $0x1  }
0xa2: {  	s23 =	simm.s32 $0x1B8B  }
0xa3: {  	_ =	swait.ge [sflag:s23], $0x1  }
0xa4: {  	[sflag:s23] =	ssyncset.done $0x0  }
0xa5: {  	s25 =	simm.s32 $0x1B8E;
	s24 =	sld [smem:$0x3FFE];
	[sflag:s23] =	ssyncadd.s32 $0xFFFFFFFF  }
0xa6: {  	s26 =	simm.s32 $execute0_lowered;
	[smem:$0x3FD2] =	sst s25  }
0xa7: {  	s6 =	sshll.u32 s26, $0x1;
	_ =	strace $0x80000046;
	[dreg:$0x1] =	wrdreg $0xFFFFFFFF  }
0xa8: {  	s28 =	simm.s32 $_size_execute0_lowered;
	s4 =	sadd.s32 s4, s6;
	[dreg:$0x0] =	wrdreg $0x0  }
0xa9: {  	s6 =	sshll.u32 s28, $0x1;
	[dreg:$0x2] =	wrdreg s4  }
0xaa: {  	[dreg:$0x3] =	wrdreg s6  }
0xab: {  	[dreg:$0x4] =	wrdreg $0xC0  }
0xac: {  	_ =	task [dreg:s8], $0x5FFFF  }
0xad: {  	[dreg:$0x1] =	wrdreg $0xFFFFFFFF  }
0xae: {  	[dreg:$0x0] =	wrdreg $0x60  }
0xaf: {  	[dreg:$0x2] =	wrdreg s2  }
0xb0: {  	[dreg:$0x3] =	wrdreg s24  }
0xb1: {  	[dreg:$0x4] =	wrdreg s18  }
0xb2: {  	[dreg:$0x5] =	wrdreg $0x9  }
0xb3: {  	_ =	task.clear_ibuf [dreg:s8], $0x6FFFF;
	_ =	strace $0x90000046  }
0xb4: {  	s29 =	simm.s32 $0x9;
	_ =	strace $0x80000048  }
0xb5: {  	_ =	swait.ge [sflag:s29], $0x1  }
0xb6: {  	[sflag:s29] =	ssyncadd.s32 $0xFFFFFFFF  }
0xb7: {  	_ =	strace $0x90000048  }
0xb8: {  	_ =	sfence  }
0xb9: {  	s30 =	sld [smem:$0x0];
	_ =	sdelay $0x2  }
0xba: {  	s31 =	sshll.u32 s1, $0xD;
	s1 =	sshrl.u32 s1, $0x2  }
0xbb: {  	s3 =	sand.u32 $0x4000, s31;
	s1 =	sadd.s32 s1, s30  }
0xbc: {  	s0 =	sor.u32 s3, s0;
	s1 =	sshll.u32 s1, $0x11  }
0xbd: {  	s0 =	sor.u32 s1, s0  }
0xbe: {  	s0 =	sadd.s32 $0x8F2B, s0  }
0xbf: {  	[sflag:s0] =	ssyncadd.remote.s32 $0x1  }
0xc0: {  	_ =	sfence.sel $0xFFFF  }
0xc1: {  	[dreg:$0x0] =	wrdreg $0xFFFFFFFF;
	(pc) =	sbr.abs _section_cstart, $3  }
0xc2: {  	[dreg:$0x1] =	wrdreg $0xFFFFFFFF  }
0xc3: {  	_ =	task.clear_ibuf [dreg:s8], $0x2FFFF;
	_ =	strace $0x9FFFFFFF  }
0xc4: {  	(tm) =	ssettm $0x7FFFFFFF  }
0xc5: {  	_ =	shalt  }
tec
execute0_lowered:
.L_overlay_start_1:
0x0: {  	(tag) =	ssettag $0x1  }
0x1: {  	s1 =	rddreg [dreg:$0x0];
	s2 =	srdreg.scid  }
0x2: {  	s4 =	rddreg [dreg:$0x1];
	s0 =	stileid.u32;
	s3 =	simm.s32 $0x0  }
0x3: {  	s8 =	simm.s32 $0x80;
	s26 =	simm.s32 $0x880;
	s9 =	simm.s32 $0x1080  }
0x4: {  	s10 =	simm.s32 $0x1880;
	s11 =	simm.s32 $0x2080;
	s12 =	simm.s32 $0x2880  }
0x5: {  	s13 =	simm.s32 $0x3080;
	s14 =	simm.s32 $0x3880;
	s15 =	simm.s32 $0x4080  }
0x6: {  	s16 =	simm.s32 $0x4880;
	s17 =	simm.s32 $0x5080;
	s18 =	simm.s32 $0x5880  }
0x7: {  	s19 =	simm.s32 $0x6080;
	s20 =	simm.s32 $0x6880;
	s21 =	simm.s32 $0x7080  }
0x8: {  	s22 =	simm.s32 $0x7880;
	s23 =	simm.s32 $0x8080;
	s24 =	simm.s32 $0x8880  }
0x9: {  	s28 =	simm.s32 $0xA080;
	s29 =	simm.s32 $0xA880;
	s30 =	simm.s32 $0xB080  }
0xa: {  	s31 =	simm.s32 $0xB880;
	s5 =	sand.u32 $0x1, s2;
	s2 =	rddreg [dreg:$0x2]  }
0xb: {  	s6 =	sshll.u32 s0, $0x4;
	[smem:$0x7FF] =	sst s3;
	s7 =	sshll.u32 s5, $0x3  }
0xc: {  	_ =	strace $0x80000047;
	s5 =	ssub.s32 $0x2, s5;
	[dreg:$0x6] =	wrdreg s26  }
0xd: {  	s26 =	simm.s32 $0x9880;
	s6 =	sor.u32 s7, s6;
	s25 =	sshrl.u32 s5, $0x1  }
0xe: {  	s7 =	smul.u32 $0x300, s6;
	s4 =	sadd.s32 s4, s6;
	s6 =	ssub.s32 s5, s25  }
0xf: {  	v2 =	vlaneseq.u32;
	s5 =	sadd.s32 $0x200, s2;
	s25 =	simm.s32 $0x9080;
	[dreg:$0x4] =	wrdreg s4  }
0x10: {  	vm0 =	vmmov $0xffff;
	v1 =	vshrl.u32 v2, $0x3;
	s4 =	sadd.s32 $0x100, s2;
	s6 =	smax.u32 s6, $0x1;
	s1 =	sadd.s32 s1, s7  }
0x11: {  	v0 =	vand.u32 $0x7, v2;
	v2 =	vor.u32 $0x8, v2;
	v1 =	vmul.u32 $0x8, v1;
	s7 =	simm.s32 $0x2;
	[dreg:$0x5] =	wrdreg s1;
	s1 =	simm.s32 $0x1  }
.LBB2_1:
0x12: {  	s0 =	rddreg [dreg:$0x4]  }
0x13: {  	[tilespmem:s3], [sflag:$0x2] =	stream.linear.gather [hbm4b:s0+s3], $0x40, $0x38;
	[tilespmem:$0xC080] =	vst v63  }
0x14: {  	_ =	swait.ge [sflag:s7], $0x40  }
0x15: {  	[sflag:s7] =	ssyncset.done $0x0  }
0x16: {  	s0 =	rddreg [dreg:$0x5];
	[sflag:s7] =	ssyncadd.s32 $0xFFFFFFC0  }
0x17: {  	[tilespmem:s8], [sflag:$0x2] =	stream.linear.gather [hbm4b:s0+s3], $0xC000, $0x38;
	[tilespmem:$0xC080] =	vst v63  }
0x18: {  	_ =	swait.ge [sflag:s7], $0xC000  }
0x19: {  	[sflag:s7] =	ssyncset.done $0x0  }
0x1a: {  	[sflag:s7] =	ssyncadd.s32 $0xFFFF4000  }
0x1b: {  	v3 =	vld [tilespmem:$0x0];
	_ =	sdelay $0x4  }
0x1c: {  	v4 =	vshrl.u32 v3, $0x3  }
0x1d: {  	v4 =	vmul.u32 $0x30, v4  }
0x1e: {  	v3 =	vand.u32 $0x7, v3  }
0x1f: {  	v3 =	vor.u32 v3, v4  }
0x20: {  	v4 =	vperm.xlane v3, v0;
	_ =	sdelay $0x1  }
0x21: {  	v4 =	vadd.s32 v1, v4;
	_ =	sdelay $0x3  }
0x22: {  	v3 =	vperm.xlane v3, v2  }
0x23: {  	[hbm4b:s2+s3] =	stream.indirect_vreg.scatter [tilespmem:s8], [sflag:$0x1], $0x80, v4, vm0, $0xb8;
	[tilespmem:$0xC080] =	vst v63  }
0x24: {  	s0 =	rddreg [dreg:$0x6];
	v3 =	vadd.s32 v1, v3  }
0x25: {  	[hbm4b:s4+s3] =	stream.indirect_vreg.scatter [tilespmem:s0], [sflag:$0x1], $0x80, v4, vm0, $0xb8;
	[tilespmem:$0xC080] =	vst v63  }
0x26: {  	_ = 	snop  }
0x27: {  	[hbm4b:s5+s3] =	stream.indirect_vreg.scatter [tilespmem:s9], [sflag:$0x1], $0x80, v4, vm0, $0xb8;
	[tilespmem:$0xC080] =	vst v63  }
0x28: {  	_ = 	snop  }
0x29: {  	[hbm4b:s2+s3] =	stream.indirect_vreg.scatter [tilespmem:s10], [sflag:$0x1], $0x80, v3, vm0, $0xb8;
	[tilespmem:$0xC080] =	vst v63  }
0x2a: {  	_ = 	snop  }
0x2b: {  	[hbm4b:s4+s3] =	stream.indirect_vreg.scatter [tilespmem:s11], [sflag:$0x1], $0x80, v3, vm0, $0xb8;
	[tilespmem:$0xC080] =	vst v63  }
0x2c: {  	_ = 	snop  }
0x2d: {  	[hbm4b:s5+s3] =	stream.indirect_vreg.scatter [tilespmem:s12], [sflag:$0x1], $0x80, v3, vm0, $0xb8;
	[tilespmem:$0xC080] =	vst v63  }
0x2e: {  	v3 =	vld [tilespmem:$0x10];
	_ =	sdelay $0x4  }
0x2f: {  	v61 =	vshrl.u32 v3, $0x3  }
0x30: {  	v4 =	vmul.u32 $0x30, v61  }
0x31: {  	v3 =	vand.u32 $0x7, v3  }
0x32: {  	v3 =	vor.u32 v3, v4  }
0x33: {  	v4 =	vperm.xlane v3, v0;
	_ =	sdelay $0x1  }
0x34: {  	v4 =	vadd.s32 v1, v4;
	_ =	sdelay $0x3  }
0x35: {  	v3 =	vperm.xlane v3, v2  }
0x36: {  	[hbm4b:s2+s3] =	stream.indirect_vreg.scatter [tilespmem:s13], [sflag:$0x1], $0x80, v4, vm0, $0xb8;
	[tilespmem:$0xC080] =	vst v63  }
0x37: {  	v3 =	vadd.s32 v1, v3  }
0x38: {  	[hbm4b:s4+s3] =	stream.indirect_vreg.scatter [tilespmem:s14], [sflag:$0x1], $0x80, v4, vm0, $0xb8;
	[tilespmem:$0xC080] =	vst v63  }
0x39: {  	_ = 	snop  }
0x3a: {  	[hbm4b:s5+s3] =	stream.indirect_vreg.scatter [tilespmem:s15], [sflag:$0x1], $0x80, v4, vm0, $0xb8;
	[tilespmem:$0xC080] =	vst v63  }
0x3b: {  	_ = 	snop  }
0x3c: {  	[hbm4b:s2+s3] =	stream.indirect_vreg.scatter [tilespmem:s16], [sflag:$0x1], $0x80, v3, vm0, $0xb8;
	[tilespmem:$0xC080] =	vst v63  }
0x3d: {  	_ = 	snop  }
0x3e: {  	[hbm4b:s4+s3] =	stream.indirect_vreg.scatter [tilespmem:s17], [sflag:$0x1], $0x80, v3, vm0, $0xb8;
	[tilespmem:$0xC080] =	vst v63  }
0x3f: {  	_ = 	snop  }
0x40: {  	[hbm4b:s5+s3] =	stream.indirect_vreg.scatter [tilespmem:s18], [sflag:$0x1], $0x80, v3, vm0, $0xb8;
	[tilespmem:$0xC080] =	vst v63  }
0x41: {  	v3 =	vld [tilespmem:$0x20];
	_ =	sdelay $0x4  }
0x42: {  	v62 =	vshrl.u32 v3, $0x3  }
0x43: {  	v4 =	vmul.u32 $0x30, v62  }
0x44: {  	v3 =	vand.u32 $0x7, v3  }
0x45: {  	v3 =	vor.u32 v3, v4  }
0x46: {  	v4 =	vperm.xlane v3, v0;
	_ =	sdelay $0x1  }
0x47: {  	v4 =	vadd.s32 v1, v4;
	_ =	sdelay $0x3  }
0x48: {  	v3 =	vperm.xlane v3, v2  }
0x49: {  	[hbm4b:s2+s3] =	stream.indirect_vreg.scatter [tilespmem:s19], [sflag:$0x1], $0x80, v4, vm0, $0xb8;
	[tilespmem:$0xC080] =	vst v63  }
0x4a: {  	v3 =	vadd.s32 v1, v3  }
0x4b: {  	[hbm4b:s4+s3] =	stream.indirect_vreg.scatter [tilespmem:s20], [sflag:$0x1], $0x80, v4, vm0, $0xb8;
	[tilespmem:$0xC080] =	vst v63  }
0x4c: {  	_ = 	snop  }
0x4d: {  	[hbm4b:s5+s3] =	stream.indirect_vreg.scatter [tilespmem:s21], [sflag:$0x1], $0x80, v4, vm0, $0xb8;
	[tilespmem:$0xC080] =	vst v63  }
0x4e: {  	_ = 	snop  }
0x4f: {  	[hbm4b:s2+s3] =	stream.indirect_vreg.scatter [tilespmem:s22], [sflag:$0x1], $0x80, v3, vm0, $0xb8;
	[tilespmem:$0xC080] =	vst v63  }
0x50: {  	_ = 	snop  }
0x51: {  	[hbm4b:s4+s3] =	stream.indirect_vreg.scatter [tilespmem:s23], [sflag:$0x1], $0x80, v3, vm0, $0xb8;
	[tilespmem:$0xC080] =	vst v63  }
0x52: {  	_ = 	snop  }
0x53: {  	[hbm4b:s5+s3] =	stream.indirect_vreg.scatter [tilespmem:s24], [sflag:$0x1], $0x80, v3, vm0, $0xb8;
	[tilespmem:$0xC080] =	vst v63  }
0x54: {  	v3 =	vld [tilespmem:$0x30];
	_ =	sdelay $0x4  }
0x55: {  	v63 =	vshrl.u32 v3, $0x3  }
0x56: {  	v4 =	vmul.u32 $0x30, v63  }
0x57: {  	v3 =	vand.u32 $0x7, v3  }
0x58: {  	v3 =	vor.u32 v3, v4  }
0x59: {  	v4 =	vperm.xlane v3, v0;
	_ =	sdelay $0x1  }
0x5a: {  	v4 =	vadd.s32 v1, v4;
	_ =	sdelay $0x3  }
0x5b: {  	v3 =	vperm.xlane v3, v2  }
0x5c: {  	[hbm4b:s2+s3] =	stream.indirect_vreg.scatter [tilespmem:s25], [sflag:$0x1], $0x80, v4, vm0, $0xb8;
	[tilespmem:$0xC080] =	vst v63  }
0x5d: {  	v3 =	vadd.s32 v1, v3  }
0x5e: {  	[hbm4b:s4+s3] =	stream.indirect_vreg.scatter [tilespmem:s26], [sflag:$0x1], $0x80, v4, vm0, $0xb8;
	[tilespmem:$0xC080] =	vst v63  }
0x5f: {  	_ = 	snop  }
0x60: {  	[hbm4b:s5+s3] =	stream.indirect_vreg.scatter [tilespmem:s28], [sflag:$0x1], $0x80, v4, vm0, $0xb8;
	[tilespmem:$0xC080] =	vst v63  }
0x61: {  	_ = 	snop  }
0x62: {  	[hbm4b:s2+s3] =	stream.indirect_vreg.scatter [tilespmem:s29], [sflag:$0x1], $0x80, v3, vm0, $0xb8;
	[tilespmem:$0xC080] =	vst v63  }
0x63: {  	p0 =	sne.s32 s6, $0x1  }
0x64: {  	[hbm4b:s4+s3] =	stream.indirect_vreg.scatter [tilespmem:s30], [sflag:$0x1], $0x80, v3, vm0, $0xb8;
	[tilespmem:$0xC080] =	vst v63  }
.Ltmp0:
0x65: {  	_ = 	snop;
	(pc) =	sbr.rel @p0 .LBB2_1-.Ltmp0, $4  }
0x66: {  	[hbm4b:s5+s3] =	stream.indirect_vreg.scatter [tilespmem:s31], [sflag:$0x1], $0x80, v3, vm0, $0xb8;
	[tilespmem:$0xC080] =	vst v63  }
0x67: {  	_ =	swait.ge [sflag:s1], $0xC000  }
0x68: {  	[sflag:s1] =	ssyncset.done $0x0  }
0x69: {  	s6 =	sadd.s32 $0xFFFFFFFF, s6;
	[sflag:s1] =	ssyncadd.s32 $0xFFFF4000  }
0x6a: {  	_ =	sfence.sel $0x180000  }
0x6b: {  	[bflag:$0x0] =	sbarrier.arrive $0xFFFF  }
0x6c: {  	_ =	strace $0x90000047  }
0x6d: {  	s0 =	stileid.u32;
	[bflag:$0x2] =	sbarrier.arrive $0xFFFF  }
0x6e: {  	p0 =	sne.s32 s0, $0x0;
	s0 =	rddreg [dreg:$0x3]  }
0x6f: {  	s0 =	sadd.s32 @!p0 $0x100000, s0  }
0x70: {  	[sflag:s0] =	ssyncadd.tile.s32 @!p0 $0x1;
	_ =	shalt  }
.Lfunc_end2:
_tile_overlayer_lowered:
.L_overlay_start_2:
0x71: {  	(tag) =	ssettag $0x2  }
0x72: {  	s0 =	rddreg [dreg:$0x0];
	s2 =	stileid.u32  }
0x73: {  	s1 =	rddreg [dreg:$0x1];
	p0 =	sne.s32 s2, $0x0  }
0x74: {  	s3 =	rddreg [dreg:$0x2];
	[bflag:$0x3] =	sbarrier.arrive $0xFFFF;
	s2 =	simm.s32 @!p0 $0x1C02  }
0x75: {  	[timem:s3], [sflag:s2] =	dma.local @!p0 [hbm:s0], s1  }
0x76: {  	s0 =	simm.s32 @!p0 $0x2  }
0x77: {  	_ =	swait.ge @!p0 [sflag:s0], s1  }
0x78: {  	s1 =	ssub.s32 @!p0 $0x0, s1;
	[sflag:s0] =	ssyncset.done @!p0 $0x0  }
0x79: {  	[sflag:s0] =	ssyncadd.s32 @!p0 s1  }
0x7a: {  	[bflag:$0x3] =	sbarrier.arrive $0xFFFF  }
0x7b: {  	_ =	shalt  }

</sc_bundles>
